<compile_context>
chip_gen: v7x
topology: tpu7x:2x2x1
jax: 0.10.2.dev20260603
libtpu: 0.0.44.dev20260713+nightly
codegen_flags: <defaults>
</compile_context>

<pallas_src>
import jax
import jax.numpy as jnp
from jax import lax
from jax.experimental import pallas as pl
from jax.experimental.pallas import tpu as pltpu
from jax.experimental.pallas import tpu_sc as plsc

N = 10000
M = 320000
D = 128
D_E = 16
CH = 80
NC = 2
NS = 16
NW = NC * NS
ROWS = M // CH
RPW = ROWS // NW

_mesh = plsc.VectorSubcoreMesh(core_axis_name="c", subcore_axis_name="s")


def _sc_kernel(do_scatter, do_vgather, do_hrev):
    scratch = [
        pltpu.VMEM_SHARED((N, D), jnp.float32),
        pltpu.VMEM((RPW, CH), jnp.int32),
        pltpu.VMEM((CH, D), jnp.float32),
        pltpu.VMEM((CH, D), jnp.float32),
        pltpu.SemaphoreType.DMA,
    ]

    def body(*refs):
        it = iter(refs)
        hb = next(it) if (do_scatter or do_hrev) else None
        table = next(it) if (do_scatter or do_vgather) else None
        widx_h = next(it) if do_scatter else None
        vidx_h = next(it) if do_vgather else None
        ridx_h = next(it) if do_hrev else None
        part_o = next(it) if do_scatter else None
        vout_o = next(it) if do_vgather else None
        hrev_o = next(it) if do_hrev else None
        acc, idx, vals, rows, sem = it

        c = lax.axis_index("c")
        s = lax.axis_index("s")
        wid = s * NC + c
        base = wid * RPW

        @pl.when(s == 0)
        def _():
            pltpu.sync_copy(table, acc)
        plsc.subcore_barrier()

        if do_scatter:
            pltpu.sync_copy(widx_h.at[wid], idx)

            def sbody(j, carry):
                pltpu.sync_copy(hb.at[pl.ds((base + j) * CH, CH)], vals)
                pltpu.sync_copy(vals, acc.at[idx.at[j]], add=True)
                return carry

            lax.fori_loop(0, RPW, sbody, 0)
            plsc.subcore_barrier()

            @pl.when(s == 0)
            def _():
                pltpu.sync_copy(acc, part_o.at[c])

        if do_vgather:
            pltpu.sync_copy(vidx_h.at[wid], idx)

            def gbody(j, carry):
                pltpu.async_copy(acc.at[idx.at[j]], vals, sem).wait()
                pltpu.sync_copy(vals, vout_o.at[pl.ds((base + j) * CH, CH)])
                return carry

            lax.fori_loop(0, RPW, gbody, 0)

        if do_hrev:
            pltpu.sync_copy(ridx_h.at[wid], idx)

            def rbody(j, carry):
                pltpu.async_copy(hb.at[idx.at[j]], rows, sem).wait()
                pltpu.sync_copy(rows, hrev_o.at[pl.ds((base + j) * CH, CH)])
                return carry

            lax.fori_loop(0, RPW, rbody, 0)

    outs = []
    if do_scatter:
        outs.append(jax.ShapeDtypeStruct((NC, N, D), jnp.float32))
    if do_vgather:
        outs.append(jax.ShapeDtypeStruct((M, D), jnp.float32))
    if do_hrev:
        outs.append(jax.ShapeDtypeStruct((M, D), jnp.float32))

    return pl.kernel(body, out_type=tuple(outs), mesh=_mesh,
                     scratch_types=scratch)


_sc_vgather = _sc_kernel(do_scatter=False, do_vgather=True, do_hrev=False)
_sc_scatter = _sc_kernel(do_scatter=True, do_vgather=False, do_hrev=False)
_sc_gather2 = _sc_kernel(do_scatter=False, do_vgather=True, do_hrev=True)



BM = 2000
BN = 2000


def _k1_body(vv, e, w1, w2, out):
    out[...] = jnp.maximum(vv[...] @ w1[...] + e[...] @ w2[...], 0.0)


def _k1(Vv, E, W1, W2):
    return pl.pallas_call(
        _k1_body,
        grid=(M // BM,),
        in_specs=[
            pl.BlockSpec((BM, D), lambda i: (i, 0)),
            pl.BlockSpec((BM, D_E), lambda i: (i, 0)),
            pl.BlockSpec((D, D), lambda i: (0, 0)),
            pl.BlockSpec((D_E, D), lambda i: (0, 0)),
        ],
        out_specs=pl.BlockSpec((BM, D), lambda i: (i, 0)),
        out_shape=jax.ShapeDtypeStruct((M, D), jnp.float32),
    )(Vv, E, W1, W2)


def _kadd_body(p, out):
    out[...] = p[0] + p[1]


def _kadd(P):
    return pl.pallas_call(
        _kadd_body,
        grid=(N // BN,),
        in_specs=[pl.BlockSpec((NC, BN, D), lambda i: (0, i, 0))],
        out_specs=pl.BlockSpec((BN, D), lambda i: (i, 0)),
        out_shape=jax.ShapeDtypeStruct((N, D), jnp.float32),
    )(P)


def _k3_body(hb, av, hrev, wh, wf1, wf2, out):
    m = (av[...] - hrev[...]) @ wh[...]
    z = hb[...] @ wf1[...] + m @ wf2[...]
    out[...] = hb[...] + jnp.maximum(z, 0.0)


def _k3(Hb, Av, Hrev, Wh, Wf1, Wf2):
    return pl.pallas_call(
        _k3_body,
        grid=(M // BM,),
        in_specs=[
            pl.BlockSpec((BM, D), lambda i: (i, 0)),
            pl.BlockSpec((BM, D), lambda i: (i, 0)),
            pl.BlockSpec((BM, D), lambda i: (i, 0)),
            pl.BlockSpec((D, D), lambda i: (0, 0)),
            pl.BlockSpec((D, D), lambda i: (0, 0)),
            pl.BlockSpec((D, D), lambda i: (0, 0)),
        ],
        out_specs=pl.BlockSpec((BM, D), lambda i: (i, 0)),
        out_shape=jax.ShapeDtypeStruct((M, D), jnp.float32),
    )(Hb, Av, Hrev, Wh, Wf1, Wf2)


def _k4_body(v, p, wo1, wo2, out):
    asum = p[0] + p[1]
    out[...] = jnp.maximum(v[...] @ wo1[...] + asum @ wo2[...], 0.0)


def _k4(V, P, Wo1, Wo2):
    return pl.pallas_call(
        _k4_body,
        grid=(N // BN,),
        in_specs=[
            pl.BlockSpec((BN, D), lambda i: (i, 0)),
            pl.BlockSpec((NC, BN, D), lambda i: (0, i, 0)),
            pl.BlockSpec((D, D), lambda i: (0, 0)),
            pl.BlockSpec((D, D), lambda i: (0, 0)),
        ],
        out_specs=pl.BlockSpec((BN, D), lambda i: (i, 0)),
        out_shape=jax.ShapeDtypeStruct((N, D), jnp.float32),
    )(V, P, Wo1, Wo2)


def kernel(V, E, edge_index, rev_edge_index, Wi_atom, Wi_bond,
           Wh_atom, Wh_bond, Wo_atom, Wf_atom, Wf_bond):
    v3d = edge_index[0].reshape(NW, RPW, CH)
    w3d = edge_index[1].reshape(NW, RPW, CH)
    rev3d = rev_edge_index.reshape(NW, RPW, CH)
    zeros = jnp.zeros((N, D), jnp.float32)

    (Vv,) = _sc_vgather(V, v3d)
    Hb = _k1(Vv, E, Wi_bond[:D], Wi_bond[D:])

    for _ in range(2):
        (P,) = _sc_scatter(Hb, zeros, w3d)
        Asum = _kadd(P)
        Av, Hrev = _sc_gather2(Hb, Asum, v3d, rev3d)
        Hb = _k3(Hb, Av, Hrev, Wh_bond, Wf_bond[:D], Wf_bond[D:])

    (P,) = _sc_scatter(Hb, zeros, w3d)
    return _k4(V, P, Wo_atom[:D], Wo_atom[D:])

# --- scband reference (transcript-rebuilt; emitter-appended) ---
"""Pipeline reference for scband-communicative-message-passing-77884936946199 (READ-ONLY COPY).

The authoritative reference and input builder live on the scoring server;
editing this copy changes nothing except your own understanding.
"""

import jax, jax.numpy as jnp
import numpy as np

N = 10000
M = 320000
D_V = 128
D_E = 16
D_H = 128
DEPTH = 3


def setup_inputs(seed: int = 0) -> dict:
    key = jax.random.key(seed)
    ks = jax.random.split(key, 12)
    V = jax.random.normal(ks[0], (N, D_V), dtype=jnp.float32)
    E = jax.random.normal(ks[1], (M, D_E), dtype=jnp.float32)
    edge_index = jax.random.randint(ks[2], (2, M), 0, N, dtype=jnp.int32)
    rev_edge_index = jax.random.randint(ks[3], (M,), 0, M, dtype=jnp.int32)
    s = 0.05
    Wi_atom = jax.random.normal(ks[4], (D_V, D_H), dtype=jnp.float32) * s
    Wi_bond = jax.random.normal(ks[5], (D_V + D_E, D_H), dtype=jnp.float32) * s
    Wh_atom = jax.random.normal(ks[6], (D_H, D_H), dtype=jnp.float32) * s
    Wh_bond = jax.random.normal(ks[7], (D_H, D_H), dtype=jnp.float32) * s
    Wo_atom = jax.random.normal(ks[8], (D_V + D_H, D_H), dtype=jnp.float32) * s
    Wf_atom = jax.random.normal(ks[9], (2 * D_H, D_H), dtype=jnp.float32) * s
    Wf_bond = jax.random.normal(ks[10], (2 * D_H, D_H), dtype=jnp.float32) * s
    return {
        "V": V, "E": E,
        "edge_index": edge_index, "rev_edge_index": rev_edge_index,
        "Wi_atom": Wi_atom, "Wi_bond": Wi_bond,
        "Wh_atom": Wh_atom, "Wh_bond": Wh_bond,
        "Wo_atom": Wo_atom, "Wf_atom": Wf_atom, "Wf_bond": Wf_bond,
    }


def _sum_and_max_into_atoms(H_e, w, num_atoms):
    a_sum = jax.ops.segment_sum(H_e, w, num_segments=num_atoms)
    a_max = jax.ops.segment_max(H_e, w, num_segments=num_atoms)
    a_max = jnp.where(jnp.isfinite(a_max), a_max, 0.0)
    return a_sum, a_max


def _fuse(h, m, W):
    # Fusion(kind='mlp', residual=True): h + relu(Linear(cat[h, m]))
    z = jnp.concatenate([h, m], axis=1)
    return h + jax.nn.relu(z @ W)


def reference(V, E, edge_index, rev_edge_index, Wi_atom, Wi_bond,
              Wh_atom, Wh_bond, Wo_atom, Wf_atom, Wf_bond):
    num_atoms = V.shape[0]
    v = edge_index[0]
    w = edge_index[1]
    rev = rev_edge_index

    H_a0 = V @ Wi_atom
    H_b0 = jnp.concatenate([V[v], E], axis=1) @ Wi_bond
    H_a = jax.nn.relu(H_a0)
    H_b = jax.nn.relu(H_b0)

    for _ in range(1, DEPTH):
        a_sum, a_max = _sum_and_max_into_atoms(H_b, w, num_atoms)
        gate = a_sum * a_max
        m_a = gate @ Wh_atom
        H_a = _fuse(H_a, m_a, Wf_atom)

        sum_into_src = a_sum[v]
        H_rev = H_b[rev]
        M_b = sum_into_src - H_rev
        m_b = M_b @ Wh_bond
        H_b = _fuse(H_b, m_b, Wf_bond)

    a_sum, _ = _sum_and_max_into_atoms(H_b, w, num_atoms)
    H_atom = jax.nn.relu(jnp.concatenate([V, a_sum], axis=1) @ Wo_atom)
    # dropout=0.0 -> identity; d_vd=None -> no Wd branch
    return H_atom

if __name__ == "__main__":
    import jax
    _d = setup_inputs()
    print(jax.jit(kernel)(*tuple(_d.values())))

</pallas_src>

<mosaic_0001>
#map = affine_map<(d0, d1) -> (0, 0)>
#map1 = affine_map<(d0, d1) -> (0, 0, 0)>
module attributes {stable_mosaic.version = 14 : i64} {
  func.func @body(%arg0: i32, %arg1: i32, %arg2: memref<320000x128xf32, #tpu.memory_space<hbm>>, %arg3: memref<10000x128xf32, #tpu.memory_space<hbm>>, %arg4: memref<32x125x80xi32, #tpu.memory_space<hbm>>, %arg5: memref<2x10000x128xf32, #tpu.memory_space<hbm>>, %arg6: memref<10000x128xf32, #tpu.memory_space<vmem_shared>>, %arg7: memref<125x80xi32, #tpu.memory_space<vmem>>, %arg8: memref<80x128xf32, #tpu.memory_space<vmem>>, %arg9: memref<80x128xf32, #tpu.memory_space<vmem>>, %arg10: memref<!tpu.dma_semaphore, #tpu.memory_space<semaphore_mem>>) attributes {dimension_semantics = [#tpu.dimension_semantics<core_parallel>, #tpu.dimension_semantics<subcore_parallel>], iteration_bounds = array<i64: 2, 16>, scalar_prefetch = 0 : i64, scratch_operands = 5 : i64, tpu.core_type = #tpu.core_type<sc_vector_subcore>, window_params = [{transform_indices = #map}, {transform_indices = #map}, {transform_indices = #map1}, {transform_indices = #map1}]} {
    %mul3A = arith.constant 2 : i32
    %mul3A_0 = arith.muli %arg1, %mul3A : i32
    %add3A = arith.addi %mul3A_0, %arg0 : i32
    %mul3A_1 = arith.constant 125 : i32
    %mul3A_2 = arith.muli %add3A, %mul3A_1 : i32
    %eq3A = arith.constant 0 : i32
    %eq3A_3 = arith.cmpi eq, %arg1, %eq3A : i32
    %convert_element_type3A = arith.extui %eq3A_3 : i1 to i32
    %cond3A = arith.constant 0 : i32
    %cond3A_4 = arith.cmpi ne, %convert_element_type3A, %cond3A : i32
    scf.if %cond3A_4 {
      "tpu.region"() ({
        %run_scoped3A = tpu.sem_alloc : memref<!tpu.dma_semaphore, #tpu.memory_space<semaphore_mem>>
        tpu.enqueue_dma source(%arg3 : memref<10000x128xf32, #tpu.memory_space<hbm>>) target(%arg6 : memref<10000x128xf32, #tpu.memory_space<vmem_shared>>) target_semaphore(%run_scoped3A : memref<!tpu.dma_semaphore, #tpu.memory_space<semaphore_mem>>)
        tpu.wait_dma2 semaphore(%run_scoped3A : memref<!tpu.dma_semaphore, #tpu.memory_space<semaphore_mem>>) src(%arg3 : memref<10000x128xf32, #tpu.memory_space<hbm>>) dst(%arg6 : memref<10000x128xf32, #tpu.memory_space<vmem_shared>>)
        tpu.yield
      }) : () -> ()
    } else {
    }
    %barrier3A = arith.constant 0 : index
    tpu.barrier barrier_id(%barrier3A)
    "tpu.region"() ({
      %run_scoped3A = tpu.sem_alloc : memref<!tpu.dma_semaphore, #tpu.memory_space<semaphore_mem>>
      %dma_start3A = arith.constant 0 : i32
      %dma_start3A_16 = arith.constant 0 : i32
      %dma_start3A_17 = tpu.memref_slice %arg4[%add3A, %dma_start3A, %dma_start3A_16] : memref<32x125x80xi32, #tpu.memory_space<hbm>> -> memref<1x125x80xi32, #tpu.memory_space<hbm>>
      %dma_start3A_18 = tpu.memref_squeeze %dma_start3A_17 : memref<1x125x80xi32, #tpu.memory_space<hbm>> -> memref<125x80xi32, #tpu.memory_space<hbm>>
      %dma_start3A_19 = arith.constant 0 : i32
      %dma_start3A_20 = arith.constant 0 : i32
      %dma_start3A_21 = tpu.memref_slice %arg4[%add3A, %dma_start3A_19, %dma_start3A_20] : memref<32x125x80xi32, #tpu.memory_space<hbm>> -> memref<1x125x80xi32, #tpu.memory_space<hbm>>
      %dma_start3A_22 = tpu.memref_squeeze %dma_start3A_21 : memref<1x125x80xi32, #tpu.memory_space<hbm>> -> memref<125x80xi32, #tpu.memory_space<hbm>>
      tpu.enqueue_dma source(%dma_start3A_22 : memref<125x80xi32, #tpu.memory_space<hbm>>) target(%arg7 : memref<125x80xi32, #tpu.memory_space<vmem>>) target_semaphore(%run_scoped3A : memref<!tpu.dma_semaphore, #tpu.memory_space<semaphore_mem>>)
      %dma_wait3A = arith.constant 0 : i32
      %dma_wait3A_23 = arith.constant 0 : i32
      %dma_wait3A_24 = tpu.memref_slice %arg4[%add3A, %dma_wait3A, %dma_wait3A_23] : memref<32x125x80xi32, #tpu.memory_space<hbm>> -> memref<1x125x80xi32, #tpu.memory_space<hbm>>
      %dma_wait3A_25 = tpu.memref_squeeze %dma_wait3A_24 : memref<1x125x80xi32, #tpu.memory_space<hbm>> -> memref<125x80xi32, #tpu.memory_space<hbm>>
      %dma_wait3A_26 = arith.constant 0 : i32
      %dma_wait3A_27 = arith.constant 0 : i32
      %dma_wait3A_28 = tpu.memref_slice %arg4[%add3A, %dma_wait3A_26, %dma_wait3A_27] : memref<32x125x80xi32, #tpu.memory_space<hbm>> -> memref<1x125x80xi32, #tpu.memory_space<hbm>>
      %dma_wait3A_29 = tpu.memref_squeeze %dma_wait3A_28 : memref<1x125x80xi32, #tpu.memory_space<hbm>> -> memref<125x80xi32, #tpu.memory_space<hbm>>
      tpu.wait_dma2 semaphore(%run_scoped3A : memref<!tpu.dma_semaphore, #tpu.memory_space<semaphore_mem>>) src(%dma_wait3A_29 : memref<125x80xi32, #tpu.memory_space<hbm>>) dst(%arg7 : memref<125x80xi32, #tpu.memory_space<vmem>>)
      tpu.yield
    }) : () -> ()
    %scan3A = arith.constant 0 : i32
    %scan3A_5 = arith.constant 0 : i32
    %scan3A_6 = arith.constant 125 : i32
    %scan3A_7 = arith.addi %scan3A_5, %scan3A_6 : i32
    %scan3A_8 = arith.constant 1 : i32
    scf.for %scan3A_16 = %scan3A_5 to %scan3A_7 step %scan3A_8  : i32 {
      %add3A_17 = arith.addi %mul3A_2, %scan3A_16 : i32
      %mul3A_18 = arith.constant 80 : i32
      %mul3A_19 = arith.muli %add3A_17, %mul3A_18 : i32
      "tpu.region"() ({
        %run_scoped3A = tpu.sem_alloc : memref<!tpu.dma_semaphore, #tpu.memory_space<semaphore_mem>>
        %dma_start3A = arith.constant 0 : i32
        %dma_start3A_20 = tpu.memref_slice %arg2[%mul3A_19, %dma_start3A] : memref<320000x128xf32, #tpu.memory_space<hbm>> -> memref<80x128xf32, #tpu.memory_space<hbm>>
        %dma_start3A_21 = arith.constant 0 : i32
        %dma_start3A_22 = tpu.memref_slice %arg2[%mul3A_19, %dma_start3A_21] : memref<320000x128xf32, #tpu.memory_space<hbm>> -> memref<80x128xf32, #tpu.memory_space<hbm>>
        tpu.enqueue_dma source(%dma_start3A_22 : memref<80x128xf32, #tpu.memory_space<hbm>>) target(%arg8 : memref<80x128xf32, #tpu.memory_space<vmem>>) target_semaphore(%run_scoped3A : memref<!tpu.dma_semaphore, #tpu.memory_space<semaphore_mem>>)
        %dma_wait3A = arith.constant 0 : i32
        %dma_wait3A_23 = tpu.memref_slice %arg2[%mul3A_19, %dma_wait3A] : memref<320000x128xf32, #tpu.memory_space<hbm>> -> memref<80x128xf32, #tpu.memory_space<hbm>>
        %dma_wait3A_24 = arith.constant 0 : i32
        %dma_wait3A_25 = tpu.memref_slice %arg2[%mul3A_19, %dma_wait3A_24] : memref<320000x128xf32, #tpu.memory_space<hbm>> -> memref<80x128xf32, #tpu.memory_space<hbm>>
        tpu.wait_dma2 semaphore(%run_scoped3A : memref<!tpu.dma_semaphore, #tpu.memory_space<semaphore_mem>>) src(%dma_wait3A_25 : memref<80x128xf32, #tpu.memory_space<hbm>>) dst(%arg8 : memref<80x128xf32, #tpu.memory_space<vmem>>)
        tpu.yield
      }) : () -> ()
      "tpu.region"() ({
        %run_scoped3A = tpu.sem_alloc : memref<!tpu.dma_semaphore, #tpu.memory_space<semaphore_mem>>
        %dma_start3A = arith.constant 0 : i32
        %dma_start3A_20 = tpu.memref_slice %arg7[%scan3A_16, %dma_start3A] : memref<125x80xi32, #tpu.memory_space<vmem>> -> memref<1x80xi32, #tpu.memory_space<vmem>>
        %dma_start3A_21 = tpu.memref_squeeze %dma_start3A_20 : memref<1x80xi32, #tpu.memory_space<vmem>> -> memref<80xi32, #tpu.memory_space<vmem>>
        %dma_start3A_22 = arith.constant 0 : i32
        %dma_start3A_23 = arith.constant 0 : i32
        %dma_start3A_24 = tpu.memref_slice %arg6[%dma_start3A_22, %dma_start3A_23] : memref<10000x128xf32, #tpu.memory_space<vmem_shared>> -> memref<10000x128xf32, #tpu.memory_space<vmem_shared>>
        tpu.enqueue_indirect_dma source(%arg8 : memref<80x128xf32, #tpu.memory_space<vmem>>) target(%dma_start3A_24 : memref<10000x128xf32, #tpu.memory_space<vmem_shared>>) offsets(%dma_start3A_21 : memref<80xi32, #tpu.memory_space<vmem>>) semaphore(%run_scoped3A : memref<!tpu.dma_semaphore, #tpu.memory_space<semaphore_mem>>) {add = true}
        %dma_wait3A = arith.constant 0 : i32
        %dma_wait3A_25 = tpu.memref_slice %arg7[%scan3A_16, %dma_wait3A] : memref<125x80xi32, #tpu.memory_space<vmem>> -> memref<1x80xi32, #tpu.memory_space<vmem>>
        %dma_wait3A_26 = tpu.memref_squeeze %dma_wait3A_25 : memref<1x80xi32, #tpu.memory_space<vmem>> -> memref<80xi32, #tpu.memory_space<vmem>>
        %dma_wait3A_27 = arith.constant 0 : i32
        %dma_wait3A_28 = arith.constant 0 : i32
        %dma_wait3A_29 = tpu.memref_slice %arg6[%dma_wait3A_27, %dma_wait3A_28] : memref<10000x128xf32, #tpu.memory_space<vmem_shared>> -> memref<10000x128xf32, #tpu.memory_space<vmem_shared>>
        tpu.wait_indirect_dma semaphore(%run_scoped3A : memref<!tpu.dma_semaphore, #tpu.memory_space<semaphore_mem>>) src(%arg8 : memref<80x128xf32, #tpu.memory_space<vmem>>) dst(%dma_wait3A_29 : memref<10000x128xf32, #tpu.memory_space<vmem_shared>>)
        tpu.yield
      }) : () -> ()
    }
    %scan3A_9 = arith.constant 125 : i32
    %barrier3A_10 = arith.constant 0 : index
    tpu.barrier barrier_id(%barrier3A_10)
    %eq3A_11 = arith.constant 0 : i32
    %eq3A_12 = arith.cmpi eq, %arg1, %eq3A_11 : i32
    %convert_element_type3A_13 = arith.extui %eq3A_12 : i1 to i32
    %cond3A_14 = arith.constant 0 : i32
    %cond3A_15 = arith.cmpi ne, %convert_element_type3A_13, %cond3A_14 : i32
    scf.if %cond3A_15 {
      "tpu.region"() ({
        %run_scoped3A = tpu.sem_alloc : memref<!tpu.dma_semaphore, #tpu.memory_space<semaphore_mem>>
        %dma_start3A = arith.constant 0 : i32
        %dma_start3A_16 = arith.constant 0 : i32
        %dma_start3A_17 = tpu.memref_slice %arg5[%arg0, %dma_start3A, %dma_start3A_16] : memref<2x10000x128xf32, #tpu.memory_space<hbm>> -> memref<1x10000x128xf32, #tpu.memory_space<hbm>>
        %dma_start3A_18 = tpu.memref_squeeze %dma_start3A_17 : memref<1x10000x128xf32, #tpu.memory_space<hbm>> -> memref<10000x128xf32, #tpu.memory_space<hbm>>
        tpu.enqueue_dma source(%arg6 : memref<10000x128xf32, #tpu.memory_space<vmem_shared>>) target(%dma_start3A_18 : memref<10000x128xf32, #tpu.memory_space<hbm>>) target_semaphore(%run_scoped3A : memref<!tpu.dma_semaphore, #tpu.memory_space<semaphore_mem>>)
        %dma_wait3A = arith.constant 0 : i32
        %dma_wait3A_19 = arith.constant 0 : i32
        %dma_wait3A_20 = tpu.memref_slice %arg5[%arg0, %dma_wait3A, %dma_wait3A_19] : memref<2x10000x128xf32, #tpu.memory_space<hbm>> -> memref<1x10000x128xf32, #tpu.memory_space<hbm>>
        %dma_wait3A_21 = tpu.memref_squeeze %dma_wait3A_20 : memref<1x10000x128xf32, #tpu.memory_space<hbm>> -> memref<10000x128xf32, #tpu.memory_space<hbm>>
        tpu.wait_dma2 semaphore(%run_scoped3A : memref<!tpu.dma_semaphore, #tpu.memory_space<semaphore_mem>>) src(%arg6 : memref<10000x128xf32, #tpu.memory_space<vmem_shared>>) dst(%dma_wait3A_21 : memref<10000x128xf32, #tpu.memory_space<hbm>>)
        tpu.yield
      }) : () -> ()
    } else {
    }
    return
  }
}

#map = affine_map<(d0, d1) -> (0, 0)>
#map1 = affine_map<(d0, d1) -> (0, 0, 0)>
module attributes {stable_mosaic.version = 14 : i64} {
  func.func @body(%arg0: i32, %arg1: i32, %arg2: memref<10000x128xf32, #tpu.memory_space<hbm>>, %arg3: memref<32x125x80xi32, #tpu.memory_space<hbm>>, %arg4: memref<320000x128xf32, #tpu.memory_space<hbm>>, %arg5: memref<10000x128xf32, #tpu.memory_space<vmem_shared>>, %arg6: memref<125x80xi32, #tpu.memory_space<vmem>>, %arg7: memref<80x128xf32, #tpu.memory_space<vmem>>, %arg8: memref<80x128xf32, #tpu.memory_space<vmem>>, %arg9: memref<!tpu.dma_semaphore, #tpu.memory_space<semaphore_mem>>) attributes {dimension_semantics = [#tpu.dimension_semantics<core_parallel>, #tpu.dimension_semantics<subcore_parallel>], iteration_bounds = array<i64: 2, 16>, scalar_prefetch = 0 : i64, scratch_operands = 5 : i64, tpu.core_type = #tpu.core_type<sc_vector_subcore>, window_params = [{transform_indices = #map}, {transform_indices = #map1}, {transform_indices = #map}]} {
    %mul3A = arith.constant 2 : i32
    %mul3A_0 = arith.muli %arg1, %mul3A : i32
    %add3A = arith.addi %mul3A_0, %arg0 : i32
    %mul3A_1 = arith.constant 125 : i32
    %mul3A_2 = arith.muli %add3A, %mul3A_1 : i32
    %eq3A = arith.constant 0 : i32
    %eq3A_3 = arith.cmpi eq, %arg1, %eq3A : i32
    %convert_element_type3A = arith.extui %eq3A_3 : i1 to i32
    %cond3A = arith.constant 0 : i32
    %cond3A_4 = arith.cmpi ne, %convert_element_type3A, %cond3A : i32
    scf.if %cond3A_4 {
      "tpu.region"() ({
        %run_scoped3A = tpu.sem_alloc : memref<!tpu.dma_semaphore, #tpu.memory_space<semaphore_mem>>
        tpu.enqueue_dma source(%arg2 : memref<10000x128xf32, #tpu.memory_space<hbm>>) target(%arg5 : memref<10000x128xf32, #tpu.memory_space<vmem_shared>>) target_semaphore(%run_scoped3A : memref<!tpu.dma_semaphore, #tpu.memory_space<semaphore_mem>>)
        tpu.wait_dma2 semaphore(%run_scoped3A : memref<!tpu.dma_semaphore, #tpu.memory_space<semaphore_mem>>) src(%arg2 : memref<10000x128xf32, #tpu.memory_space<hbm>>) dst(%arg5 : memref<10000x128xf32, #tpu.memory_space<vmem_shared>>)
        tpu.yield
      }) : () -> ()
    } else {
    }
    %barrier3A = arith.constant 0 : index
    tpu.barrier barrier_id(%barrier3A)
    "tpu.region"() ({
      %run_scoped3A = tpu.sem_alloc : memref<!tpu.dma_semaphore, #tpu.memory_space<semaphore_mem>>
      %dma_start3A = arith.constant 0 : i32
      %dma_start3A_10 = arith.constant 0 : i32
      %dma_start3A_11 = tpu.memref_slice %arg3[%add3A, %dma_start3A, %dma_start3A_10] : memref<32x125x80xi32, #tpu.memory_space<hbm>> -> memref<1x125x80xi32, #tpu.memory_space<hbm>>
      %dma_start3A_12 = tpu.memref_squeeze %dma_start3A_11 : memref<1x125x80xi32, #tpu.memory_space<hbm>> -> memref<125x80xi32, #tpu.memory_space<hbm>>
      %dma_start3A_13 = arith.constant 0 : i32
      %dma_start3A_14 = arith.constant 0 : i32
      %dma_start3A_15 = tpu.memref_slice %arg3[%add3A, %dma_start3A_13, %dma_start3A_14] : memref<32x125x80xi32, #tpu.memory_space<hbm>> -> memref<1x125x80xi32, #tpu.memory_space<hbm>>
      %dma_start3A_16 = tpu.memref_squeeze %dma_start3A_15 : memref<1x125x80xi32, #tpu.memory_space<hbm>> -> memref<125x80xi32, #tpu.memory_space<hbm>>
      tpu.enqueue_dma source(%dma_start3A_16 : memref<125x80xi32, #tpu.memory_space<hbm>>) target(%arg6 : memref<125x80xi32, #tpu.memory_space<vmem>>) target_semaphore(%run_scoped3A : memref<!tpu.dma_semaphore, #tpu.memory_space<semaphore_mem>>)
      %dma_wait3A = arith.constant 0 : i32
      %dma_wait3A_17 = arith.constant 0 : i32
      %dma_wait3A_18 = tpu.memref_slice %arg3[%add3A, %dma_wait3A, %dma_wait3A_17] : memref<32x125x80xi32, #tpu.memory_space<hbm>> -> memref<1x125x80xi32, #tpu.memory_space<hbm>>
      %dma_wait3A_19 = tpu.memref_squeeze %dma_wait3A_18 : memref<1x125x80xi32, #tpu.memory_space<hbm>> -> memref<125x80xi32, #tpu.memory_space<hbm>>
      %dma_wait3A_20 = arith.constant 0 : i32
      %dma_wait3A_21 = arith.constant 0 : i32
      %dma_wait3A_22 = tpu.memref_slice %arg3[%add3A, %dma_wait3A_20, %dma_wait3A_21] : memref<32x125x80xi32, #tpu.memory_space<hbm>> -> memref<1x125x80xi32, #tpu.memory_space<hbm>>
      %dma_wait3A_23 = tpu.memref_squeeze %dma_wait3A_22 : memref<1x125x80xi32, #tpu.memory_space<hbm>> -> memref<125x80xi32, #tpu.memory_space<hbm>>
      tpu.wait_dma2 semaphore(%run_scoped3A : memref<!tpu.dma_semaphore, #tpu.memory_space<semaphore_mem>>) src(%dma_wait3A_23 : memref<125x80xi32, #tpu.memory_space<hbm>>) dst(%arg6 : memref<125x80xi32, #tpu.memory_space<vmem>>)
      tpu.yield
    }) : () -> ()
    %scan3A = arith.constant 0 : i32
    %scan3A_5 = arith.constant 0 : i32
    %scan3A_6 = arith.constant 125 : i32
    %scan3A_7 = arith.addi %scan3A_5, %scan3A_6 : i32
    %scan3A_8 = arith.constant 1 : i32
    scf.for %scan3A_10 = %scan3A_5 to %scan3A_7 step %scan3A_8  : i32 {
      %dma_start3A = arith.constant 0 : i32
      %dma_start3A_11 = tpu.memref_slice %arg6[%scan3A_10, %dma_start3A] : memref<125x80xi32, #tpu.memory_space<vmem>> -> memref<1x80xi32, #tpu.memory_space<vmem>>
      %dma_start3A_12 = tpu.memref_squeeze %dma_start3A_11 : memref<1x80xi32, #tpu.memory_space<vmem>> -> memref<80xi32, #tpu.memory_space<vmem>>
      %dma_start3A_13 = arith.constant 0 : i32
      %dma_start3A_14 = arith.constant 0 : i32
      %dma_start3A_15 = tpu.memref_slice %arg5[%dma_start3A_13, %dma_start3A_14] : memref<10000x128xf32, #tpu.memory_space<vmem_shared>> -> memref<10000x128xf32, #tpu.memory_space<vmem_shared>>
      tpu.enqueue_indirect_dma source(%dma_start3A_15 : memref<10000x128xf32, #tpu.memory_space<vmem_shared>>) target(%arg7 : memref<80x128xf32, #tpu.memory_space<vmem>>) offsets(%dma_start3A_12 : memref<80xi32, #tpu.memory_space<vmem>>) semaphore(%arg9 : memref<!tpu.dma_semaphore, #tpu.memory_space<semaphore_mem>>)
      %dma_wait3A = arith.constant 0 : i32
      %dma_wait3A_16 = tpu.memref_slice %arg6[%scan3A_10, %dma_wait3A] : memref<125x80xi32, #tpu.memory_space<vmem>> -> memref<1x80xi32, #tpu.memory_space<vmem>>
      %dma_wait3A_17 = tpu.memref_squeeze %dma_wait3A_16 : memref<1x80xi32, #tpu.memory_space<vmem>> -> memref<80xi32, #tpu.memory_space<vmem>>
      %dma_wait3A_18 = arith.constant 0 : i32
      %dma_wait3A_19 = arith.constant 0 : i32
      %dma_wait3A_20 = tpu.memref_slice %arg5[%dma_wait3A_18, %dma_wait3A_19] : memref<10000x128xf32, #tpu.memory_space<vmem_shared>> -> memref<10000x128xf32, #tpu.memory_space<vmem_shared>>
      tpu.wait_indirect_dma semaphore(%arg9 : memref<!tpu.dma_semaphore, #tpu.memory_space<semaphore_mem>>) src(%dma_wait3A_20 : memref<10000x128xf32, #tpu.memory_space<vmem_shared>>) dst(%arg7 : memref<80x128xf32, #tpu.memory_space<vmem>>)
      %add3A_21 = arith.addi %mul3A_2, %scan3A_10 : i32
      %mul3A_22 = arith.constant 80 : i32
      %mul3A_23 = arith.muli %add3A_21, %mul3A_22 : i32
      "tpu.region"() ({
        %run_scoped3A = tpu.sem_alloc : memref<!tpu.dma_semaphore, #tpu.memory_space<semaphore_mem>>
        %dma_start3A_24 = arith.constant 0 : i32
        %dma_start3A_25 = tpu.memref_slice %arg4[%mul3A_23, %dma_start3A_24] : memref<320000x128xf32, #tpu.memory_space<hbm>> -> memref<80x128xf32, #tpu.memory_space<hbm>>
        %dma_start3A_26 = arith.constant 0 : i32
        %dma_start3A_27 = tpu.memref_slice %arg4[%mul3A_23, %dma_start3A_26] : memref<320000x128xf32, #tpu.memory_space<hbm>> -> memref<80x128xf32, #tpu.memory_space<hbm>>
        tpu.enqueue_dma source(%arg7 : memref<80x128xf32, #tpu.memory_space<vmem>>) target(%dma_start3A_27 : memref<80x128xf32, #tpu.memory_space<hbm>>) target_semaphore(%run_scoped3A : memref<!tpu.dma_semaphore, #tpu.memory_space<semaphore_mem>>)
        %dma_wait3A_28 = arith.constant 0 : i32
        %dma_wait3A_29 = tpu.memref_slice %arg4[%mul3A_23, %dma_wait3A_28] : memref<320000x128xf32, #tpu.memory_space<hbm>> -> memref<80x128xf32, #tpu.memory_space<hbm>>
        %dma_wait3A_30 = arith.constant 0 : i32
        %dma_wait3A_31 = tpu.memref_slice %arg4[%mul3A_23, %dma_wait3A_30] : memref<320000x128xf32, #tpu.memory_space<hbm>> -> memref<80x128xf32, #tpu.memory_space<hbm>>
        tpu.wait_dma2 semaphore(%run_scoped3A : memref<!tpu.dma_semaphore, #tpu.memory_space<semaphore_mem>>) src(%arg7 : memref<80x128xf32, #tpu.memory_space<vmem>>) dst(%dma_wait3A_31 : memref<80x128xf32, #tpu.memory_space<hbm>>)
        tpu.yield
      }) : () -> ()
    }
    %scan3A_9 = arith.constant 125 : i32
    return
  }
}

#map = affine_map<(d0, d1) -> (0, 0)>
#map1 = affine_map<(d0, d1) -> (0, 0, 0)>
module attributes {stable_mosaic.version = 14 : i64} {
  func.func @body(%arg0: i32, %arg1: i32, %arg2: memref<320000x128xf32, #tpu.memory_space<hbm>>, %arg3: memref<10000x128xf32, #tpu.memory_space<hbm>>, %arg4: memref<32x125x80xi32, #tpu.memory_space<hbm>>, %arg5: memref<2x10000x128xf32, #tpu.memory_space<hbm>>, %arg6: memref<10000x128xf32, #tpu.memory_space<vmem_shared>>, %arg7: memref<125x80xi32, #tpu.memory_space<vmem>>, %arg8: memref<80x128xf32, #tpu.memory_space<vmem>>, %arg9: memref<80x128xf32, #tpu.memory_space<vmem>>, %arg10: memref<!tpu.dma_semaphore, #tpu.memory_space<semaphore_mem>>) attributes {dimension_semantics = [#tpu.dimension_semantics<core_parallel>, #tpu.dimension_semantics<subcore_parallel>], iteration_bounds = array<i64: 2, 16>, scalar_prefetch = 0 : i64, scratch_operands = 5 : i64, tpu.core_type = #tpu.core_type<sc_vector_subcore>, window_params = [{transform_indices = #map}, {transform_indices = #map}, {transform_indices = #map1}, {transform_indices = #map1}]} {
    %mul3A = arith.constant 2 : i32
    %mul3A_0 = arith.muli %arg1, %mul3A : i32
    %add3A = arith.addi %mul3A_0, %arg0 : i32
    %mul3A_1 = arith.constant 125 : i32
    %mul3A_2 = arith.muli %add3A, %mul3A_1 : i32
    %eq3A = arith.constant 0 : i32
    %eq3A_3 = arith.cmpi eq, %arg1, %eq3A : i32
    %convert_element_type3A = arith.extui %eq3A_3 : i1 to i32
    %cond3A = arith.constant 0 : i32
    %cond3A_4 = arith.cmpi ne, %convert_element_type3A, %cond3A : i32
    scf.if %cond3A_4 {
      "tpu.region"() ({
        %run_scoped3A = tpu.sem_alloc : memref<!tpu.dma_semaphore, #tpu.memory_space<semaphore_mem>>
        tpu.enqueue_dma source(%arg3 : memref<10000x128xf32, #tpu.memory_space<hbm>>) target(%arg6 : memref<10000x128xf32, #tpu.memory_space<vmem_shared>>) target_semaphore(%run_scoped3A : memref<!tpu.dma_semaphore, #tpu.memory_space<semaphore_mem>>)
        tpu.wait_dma2 semaphore(%run_scoped3A : memref<!tpu.dma_semaphore, #tpu.memory_space<semaphore_mem>>) src(%arg3 : memref<10000x128xf32, #tpu.memory_space<hbm>>) dst(%arg6 : memref<10000x128xf32, #tpu.memory_space<vmem_shared>>)
        tpu.yield
      }) : () -> ()
    } else {
    }
    %barrier3A = arith.constant 0 : index
    tpu.barrier barrier_id(%barrier3A)
    "tpu.region"() ({
      %run_scoped3A = tpu.sem_alloc : memref<!tpu.dma_semaphore, #tpu.memory_space<semaphore_mem>>
      %dma_start3A = arith.constant 0 : i32
      %dma_start3A_16 = arith.constant 0 : i32
      %dma_start3A_17 = tpu.memref_slice %arg4[%add3A, %dma_start3A, %dma_start3A_16] : memref<32x125x80xi32, #tpu.memory_space<hbm>> -> memref<1x125x80xi32, #tpu.memory_space<hbm>>
      %dma_start3A_18 = tpu.memref_squeeze %dma_start3A_17 : memref<1x125x80xi32, #tpu.memory_space<hbm>> -> memref<125x80xi32, #tpu.memory_space<hbm>>
      %dma_start3A_19 = arith.constant 0 : i32
      %dma_start3A_20 = arith.constant 0 : i32
      %dma_start3A_21 = tpu.memref_slice %arg4[%add3A, %dma_start3A_19, %dma_start3A_20] : memref<32x125x80xi32, #tpu.memory_space<hbm>> -> memref<1x125x80xi32, #tpu.memory_space<hbm>>
      %dma_start3A_22 = tpu.memref_squeeze %dma_start3A_21 : memref<1x125x80xi32, #tpu.memory_space<hbm>> -> memref<125x80xi32, #tpu.memory_space<hbm>>
      tpu.enqueue_dma source(%dma_start3A_22 : memref<125x80xi32, #tpu.memory_space<hbm>>) target(%arg7 : memref<125x80xi32, #tpu.memory_space<vmem>>) target_semaphore(%run_scoped3A : memref<!tpu.dma_semaphore, #tpu.memory_space<semaphore_mem>>)
      %dma_wait3A = arith.constant 0 : i32
      %dma_wait3A_23 = arith.constant 0 : i32
      %dma_wait3A_24 = tpu.memref_slice %arg4[%add3A, %dma_wait3A, %dma_wait3A_23] : memref<32x125x80xi32, #tpu.memory_space<hbm>> -> memref<1x125x80xi32, #tpu.memory_space<hbm>>
      %dma_wait3A_25 = tpu.memref_squeeze %dma_wait3A_24 : memref<1x125x80xi32, #tpu.memory_space<hbm>> -> memref<125x80xi32, #tpu.memory_space<hbm>>
      %dma_wait3A_26 = arith.constant 0 : i32
      %dma_wait3A_27 = arith.constant 0 : i32
      %dma_wait3A_28 = tpu.memref_slice %arg4[%add3A, %dma_wait3A_26, %dma_wait3A_27] : memref<32x125x80xi32, #tpu.memory_space<hbm>> -> memref<1x125x80xi32, #tpu.memory_space<hbm>>
      %dma_wait3A_29 = tpu.memref_squeeze %dma_wait3A_28 : memref<1x125x80xi32, #tpu.memory_space<hbm>> -> memref<125x80xi32, #tpu.memory_space<hbm>>
      tpu.wait_dma2 semaphore(%run_scoped3A : memref<!tpu.dma_semaphore, #tpu.memory_space<semaphore_mem>>) src(%dma_wait3A_29 : memref<125x80xi32, #tpu.memory_space<hbm>>) dst(%arg7 : memref<125x80xi32, #tpu.memory_space<vmem>>)
      tpu.yield
    }) : () -> ()
    %scan3A = arith.constant 0 : i32
    %scan3A_5 = arith.constant 0 : i32
    %scan3A_6 = arith.constant 125 : i32
    %scan3A_7 = arith.addi %scan3A_5, %scan3A_6 : i32
    %scan3A_8 = arith.constant 1 : i32
    scf.for %scan3A_16 = %scan3A_5 to %scan3A_7 step %scan3A_8  : i32 {
      %add3A_17 = arith.addi %mul3A_2, %scan3A_16 : i32
      %mul3A_18 = arith.constant 80 : i32
      %mul3A_19 = arith.muli %add3A_17, %mul3A_18 : i32
      "tpu.region"() ({
        %run_scoped3A = tpu.sem_alloc : memref<!tpu.dma_semaphore, #tpu.memory_space<semaphore_mem>>
        %dma_start3A = arith.constant 0 : i32
        %dma_start3A_20 = tpu.memref_slice %arg2[%mul3A_19, %dma_start3A] : memref<320000x128xf32, #tpu.memory_space<hbm>> -> memref<80x128xf32, #tpu.memory_space<hbm>>
        %dma_start3A_21 = arith.constant 0 : i32
        %dma_start3A_22 = tpu.memref_slice %arg2[%mul3A_19, %dma_start3A_21] : memref<320000x128xf32, #tpu.memory_space<hbm>> -> memref<80x128xf32, #tpu.memory_space<hbm>>
        tpu.enqueue_dma source(%dma_start3A_22 : memref<80x128xf32, #tpu.memory_space<hbm>>) target(%arg8 : memref<80x128xf32, #tpu.memory_space<vmem>>) target_semaphore(%run_scoped3A : memref<!tpu.dma_semaphore, #tpu.memory_space<semaphore_mem>>)
        %dma_wait3A = arith.constant 0 : i32
        %dma_wait3A_23 = tpu.memref_slice %arg2[%mul3A_19, %dma_wait3A] : memref<320000x128xf32, #tpu.memory_space<hbm>> -> memref<80x128xf32, #tpu.memory_space<hbm>>
        %dma_wait3A_24 = arith.constant 0 : i32
        %dma_wait3A_25 = tpu.memref_slice %arg2[%mul3A_19, %dma_wait3A_24] : memref<320000x128xf32, #tpu.memory_space<hbm>> -> memref<80x128xf32, #tpu.memory_space<hbm>>
        tpu.wait_dma2 semaphore(%run_scoped3A : memref<!tpu.dma_semaphore, #tpu.memory_space<semaphore_mem>>) src(%dma_wait3A_25 : memref<80x128xf32, #tpu.memory_space<hbm>>) dst(%arg8 : memref<80x128xf32, #tpu.memory_space<vmem>>)
        tpu.yield
      }) : () -> ()
      "tpu.region"() ({
        %run_scoped3A = tpu.sem_alloc : memref<!tpu.dma_semaphore, #tpu.memory_space<semaphore_mem>>
        %dma_start3A = arith.constant 0 : i32
        %dma_start3A_20 = tpu.memref_slice %arg7[%scan3A_16, %dma_start3A] : memref<125x80xi32, #tpu.memory_space<vmem>> -> memref<1x80xi32, #tpu.memory_space<vmem>>
        %dma_start3A_21 = tpu.memref_squeeze %dma_start3A_20 : memref<1x80xi32, #tpu.memory_space<vmem>> -> memref<80xi32, #tpu.memory_space<vmem>>
        %dma_start3A_22 = arith.constant 0 : i32
        %dma_start3A_23 = arith.constant 0 : i32
        %dma_start3A_24 = tpu.memref_slice %arg6[%dma_start3A_22, %dma_start3A_23] : memref<10000x128xf32, #tpu.memory_space<vmem_shared>> -> memref<10000x128xf32, #tpu.memory_space<vmem_shared>>
        tpu.enqueue_indirect_dma source(%arg8 : memref<80x128xf32, #tpu.memory_space<vmem>>) target(%dma_start3A_24 : memref<10000x128xf32, #tpu.memory_space<vmem_shared>>) offsets(%dma_start3A_21 : memref<80xi32, #tpu.memory_space<vmem>>) semaphore(%run_scoped3A : memref<!tpu.dma_semaphore, #tpu.memory_space<semaphore_mem>>) {add = true}
        %dma_wait3A = arith.constant 0 : i32
        %dma_wait3A_25 = tpu.memref_slice %arg7[%scan3A_16, %dma_wait3A] : memref<125x80xi32, #tpu.memory_space<vmem>> -> memref<1x80xi32, #tpu.memory_space<vmem>>
        %dma_wait3A_26 = tpu.memref_squeeze %dma_wait3A_25 : memref<1x80xi32, #tpu.memory_space<vmem>> -> memref<80xi32, #tpu.memory_space<vmem>>
        %dma_wait3A_27 = arith.constant 0 : i32
        %dma_wait3A_28 = arith.constant 0 : i32
        %dma_wait3A_29 = tpu.memref_slice %arg6[%dma_wait3A_27, %dma_wait3A_28] : memref<10000x128xf32, #tpu.memory_space<vmem_shared>> -> memref<10000x128xf32, #tpu.memory_space<vmem_shared>>
        tpu.wait_indirect_dma semaphore(%run_scoped3A : memref<!tpu.dma_semaphore, #tpu.memory_space<semaphore_mem>>) src(%arg8 : memref<80x128xf32, #tpu.memory_space<vmem>>) dst(%dma_wait3A_29 : memref<10000x128xf32, #tpu.memory_space<vmem_shared>>)
        tpu.yield
      }) : () -> ()
    }
    %scan3A_9 = arith.constant 125 : i32
    %barrier3A_10 = arith.constant 0 : index
    tpu.barrier barrier_id(%barrier3A_10)
    %eq3A_11 = arith.constant 0 : i32
    %eq3A_12 = arith.cmpi eq, %arg1, %eq3A_11 : i32
    %convert_element_type3A_13 = arith.extui %eq3A_12 : i1 to i32
    %cond3A_14 = arith.constant 0 : i32
    %cond3A_15 = arith.cmpi ne, %convert_element_type3A_13, %cond3A_14 : i32
    scf.if %cond3A_15 {
      "tpu.region"() ({
        %run_scoped3A = tpu.sem_alloc : memref<!tpu.dma_semaphore, #tpu.memory_space<semaphore_mem>>
        %dma_start3A = arith.constant 0 : i32
        %dma_start3A_16 = arith.constant 0 : i32
        %dma_start3A_17 = tpu.memref_slice %arg5[%arg0, %dma_start3A, %dma_start3A_16] : memref<2x10000x128xf32, #tpu.memory_space<hbm>> -> memref<1x10000x128xf32, #tpu.memory_space<hbm>>
        %dma_start3A_18 = tpu.memref_squeeze %dma_start3A_17 : memref<1x10000x128xf32, #tpu.memory_space<hbm>> -> memref<10000x128xf32, #tpu.memory_space<hbm>>
        tpu.enqueue_dma source(%arg6 : memref<10000x128xf32, #tpu.memory_space<vmem_shared>>) target(%dma_start3A_18 : memref<10000x128xf32, #tpu.memory_space<hbm>>) target_semaphore(%run_scoped3A : memref<!tpu.dma_semaphore, #tpu.memory_space<semaphore_mem>>)
        %dma_wait3A = arith.constant 0 : i32
        %dma_wait3A_19 = arith.constant 0 : i32
        %dma_wait3A_20 = tpu.memref_slice %arg5[%arg0, %dma_wait3A, %dma_wait3A_19] : memref<2x10000x128xf32, #tpu.memory_space<hbm>> -> memref<1x10000x128xf32, #tpu.memory_space<hbm>>
        %dma_wait3A_21 = tpu.memref_squeeze %dma_wait3A_20 : memref<1x10000x128xf32, #tpu.memory_space<hbm>> -> memref<10000x128xf32, #tpu.memory_space<hbm>>
        tpu.wait_dma2 semaphore(%run_scoped3A : memref<!tpu.dma_semaphore, #tpu.memory_space<semaphore_mem>>) src(%arg6 : memref<10000x128xf32, #tpu.memory_space<vmem_shared>>) dst(%dma_wait3A_21 : memref<10000x128xf32, #tpu.memory_space<hbm>>)
        tpu.yield
      }) : () -> ()
    } else {
    }
    return
  }
}

#map = affine_map<(d0, d1) -> (0, 0)>
#map1 = affine_map<(d0, d1) -> (0, 0, 0)>
module attributes {stable_mosaic.version = 14 : i64} {
  func.func @body(%arg0: i32, %arg1: i32, %arg2: memref<320000x128xf32, #tpu.memory_space<hbm>>, %arg3: memref<10000x128xf32, #tpu.memory_space<hbm>>, %arg4: memref<32x125x80xi32, #tpu.memory_space<hbm>>, %arg5: memref<32x125x80xi32, #tpu.memory_space<hbm>>, %arg6: memref<320000x128xf32, #tpu.memory_space<hbm>>, %arg7: memref<320000x128xf32, #tpu.memory_space<hbm>>, %arg8: memref<10000x128xf32, #tpu.memory_space<vmem_shared>>, %arg9: memref<125x80xi32, #tpu.memory_space<vmem>>, %arg10: memref<80x128xf32, #tpu.memory_space<vmem>>, %arg11: memref<80x128xf32, #tpu.memory_space<vmem>>, %arg12: memref<!tpu.dma_semaphore, #tpu.memory_space<semaphore_mem>>) attributes {dimension_semantics = [#tpu.dimension_semantics<core_parallel>, #tpu.dimension_semantics<subcore_parallel>], iteration_bounds = array<i64: 2, 16>, scalar_prefetch = 0 : i64, scratch_operands = 5 : i64, tpu.core_type = #tpu.core_type<sc_vector_subcore>, window_params = [{transform_indices = #map}, {transform_indices = #map}, {transform_indices = #map1}, {transform_indices = #map1}, {transform_indices = #map}, {transform_indices = #map}]} {
    %mul3A = arith.constant 2 : i32
    %mul3A_0 = arith.muli %arg1, %mul3A : i32
    %add3A = arith.addi %mul3A_0, %arg0 : i32
    %mul3A_1 = arith.constant 125 : i32
    %mul3A_2 = arith.muli %add3A, %mul3A_1 : i32
    %eq3A = arith.constant 0 : i32
    %eq3A_3 = arith.cmpi eq, %arg1, %eq3A : i32
    %convert_element_type3A = arith.extui %eq3A_3 : i1 to i32
    %cond3A = arith.constant 0 : i32
    %cond3A_4 = arith.cmpi ne, %convert_element_type3A, %cond3A : i32
    scf.if %cond3A_4 {
      "tpu.region"() ({
        %run_scoped3A = tpu.sem_alloc : memref<!tpu.dma_semaphore, #tpu.memory_space<semaphore_mem>>
        tpu.enqueue_dma source(%arg3 : memref<10000x128xf32, #tpu.memory_space<hbm>>) target(%arg8 : memref<10000x128xf32, #tpu.memory_space<vmem_shared>>) target_semaphore(%run_scoped3A : memref<!tpu.dma_semaphore, #tpu.memory_space<semaphore_mem>>)
        tpu.wait_dma2 semaphore(%run_scoped3A : memref<!tpu.dma_semaphore, #tpu.memory_space<semaphore_mem>>) src(%arg3 : memref<10000x128xf32, #tpu.memory_space<hbm>>) dst(%arg8 : memref<10000x128xf32, #tpu.memory_space<vmem_shared>>)
        tpu.yield
      }) : () -> ()
    } else {
    }
    %barrier3A = arith.constant 0 : index
    tpu.barrier barrier_id(%barrier3A)
    "tpu.region"() ({
      %run_scoped3A = tpu.sem_alloc : memref<!tpu.dma_semaphore, #tpu.memory_space<semaphore_mem>>
      %dma_start3A = arith.constant 0 : i32
      %dma_start3A_16 = arith.constant 0 : i32
      %dma_start3A_17 = tpu.memref_slice %arg4[%add3A, %dma_start3A, %dma_start3A_16] : memref<32x125x80xi32, #tpu.memory_space<hbm>> -> memref<1x125x80xi32, #tpu.memory_space<hbm>>
      %dma_start3A_18 = tpu.memref_squeeze %dma_start3A_17 : memref<1x125x80xi32, #tpu.memory_space<hbm>> -> memref<125x80xi32, #tpu.memory_space<hbm>>
      %dma_start3A_19 = arith.constant 0 : i32
      %dma_start3A_20 = arith.constant 0 : i32
      %dma_start3A_21 = tpu.memref_slice %arg4[%add3A, %dma_start3A_19, %dma_start3A_20] : memref<32x125x80xi32, #tpu.memory_space<hbm>> -> memref<1x125x80xi32, #tpu.memory_space<hbm>>
      %dma_start3A_22 = tpu.memref_squeeze %dma_start3A_21 : memref<1x125x80xi32, #tpu.memory_space<hbm>> -> memref<125x80xi32, #tpu.memory_space<hbm>>
      tpu.enqueue_dma source(%dma_start3A_22 : memref<125x80xi32, #tpu.memory_space<hbm>>) target(%arg9 : memref<125x80xi32, #tpu.memory_space<vmem>>) target_semaphore(%run_scoped3A : memref<!tpu.dma_semaphore, #tpu.memory_space<semaphore_mem>>)
      %dma_wait3A = arith.constant 0 : i32
      %dma_wait3A_23 = arith.constant 0 : i32
      %dma_wait3A_24 = tpu.memref_slice %arg4[%add3A, %dma_wait3A, %dma_wait3A_23] : memref<32x125x80xi32, #tpu.memory_space<hbm>> -> memref<1x125x80xi32, #tpu.memory_space<hbm>>
      %dma_wait3A_25 = tpu.memref_squeeze %dma_wait3A_24 : memref<1x125x80xi32, #tpu.memory_space<hbm>> -> memref<125x80xi32, #tpu.memory_space<hbm>>
      %dma_wait3A_26 = arith.constant 0 : i32
      %dma_wait3A_27 = arith.constant 0 : i32
      %dma_wait3A_28 = tpu.memref_slice %arg4[%add3A, %dma_wait3A_26, %dma_wait3A_27] : memref<32x125x80xi32, #tpu.memory_space<hbm>> -> memref<1x125x80xi32, #tpu.memory_space<hbm>>
      %dma_wait3A_29 = tpu.memref_squeeze %dma_wait3A_28 : memref<1x125x80xi32, #tpu.memory_space<hbm>> -> memref<125x80xi32, #tpu.memory_space<hbm>>
      tpu.wait_dma2 semaphore(%run_scoped3A : memref<!tpu.dma_semaphore, #tpu.memory_space<semaphore_mem>>) src(%dma_wait3A_29 : memref<125x80xi32, #tpu.memory_space<hbm>>) dst(%arg9 : memref<125x80xi32, #tpu.memory_space<vmem>>)
      tpu.yield
    }) : () -> ()
    %scan3A = arith.constant 0 : i32
    %scan3A_5 = arith.constant 0 : i32
    %scan3A_6 = arith.constant 125 : i32
    %scan3A_7 = arith.addi %scan3A_5, %scan3A_6 : i32
    %scan3A_8 = arith.constant 1 : i32
    scf.for %scan3A_16 = %scan3A_5 to %scan3A_7 step %scan3A_8  : i32 {
      %dma_start3A = arith.constant 0 : i32
      %dma_start3A_17 = tpu.memref_slice %arg9[%scan3A_16, %dma_start3A] : memref<125x80xi32, #tpu.memory_space<vmem>> -> memref<1x80xi32, #tpu.memory_space<vmem>>
      %dma_start3A_18 = tpu.memref_squeeze %dma_start3A_17 : memref<1x80xi32, #tpu.memory_space<vmem>> -> memref<80xi32, #tpu.memory_space<vmem>>
      %dma_start3A_19 = arith.constant 0 : i32
      %dma_start3A_20 = arith.constant 0 : i32
      %dma_start3A_21 = tpu.memref_slice %arg8[%dma_start3A_19, %dma_start3A_20] : memref<10000x128xf32, #tpu.memory_space<vmem_shared>> -> memref<10000x128xf32, #tpu.memory_space<vmem_shared>>
      tpu.enqueue_indirect_dma source(%dma_start3A_21 : memref<10000x128xf32, #tpu.memory_space<vmem_shared>>) target(%arg10 : memref<80x128xf32, #tpu.memory_space<vmem>>) offsets(%dma_start3A_18 : memref<80xi32, #tpu.memory_space<vmem>>) semaphore(%arg12 : memref<!tpu.dma_semaphore, #tpu.memory_space<semaphore_mem>>)
      %dma_wait3A = arith.constant 0 : i32
      %dma_wait3A_22 = tpu.memref_slice %arg9[%scan3A_16, %dma_wait3A] : memref<125x80xi32, #tpu.memory_space<vmem>> -> memref<1x80xi32, #tpu.memory_space<vmem>>
      %dma_wait3A_23 = tpu.memref_squeeze %dma_wait3A_22 : memref<1x80xi32, #tpu.memory_space<vmem>> -> memref<80xi32, #tpu.memory_space<vmem>>
      %dma_wait3A_24 = arith.constant 0 : i32
      %dma_wait3A_25 = arith.constant 0 : i32
      %dma_wait3A_26 = tpu.memref_slice %arg8[%dma_wait3A_24, %dma_wait3A_25] : memref<10000x128xf32, #tpu.memory_space<vmem_shared>> -> memref<10000x128xf32, #tpu.memory_space<vmem_shared>>
      tpu.wait_indirect_dma semaphore(%arg12 : memref<!tpu.dma_semaphore, #tpu.memory_space<semaphore_mem>>) src(%dma_wait3A_26 : memref<10000x128xf32, #tpu.memory_space<vmem_shared>>) dst(%arg10 : memref<80x128xf32, #tpu.memory_space<vmem>>)
      %add3A_27 = arith.addi %mul3A_2, %scan3A_16 : i32
      %mul3A_28 = arith.constant 80 : i32
      %mul3A_29 = arith.muli %add3A_27, %mul3A_28 : i32
      "tpu.region"() ({
        %run_scoped3A = tpu.sem_alloc : memref<!tpu.dma_semaphore, #tpu.memory_space<semaphore_mem>>
        %dma_start3A_30 = arith.constant 0 : i32
        %dma_start3A_31 = tpu.memref_slice %arg6[%mul3A_29, %dma_start3A_30] : memref<320000x128xf32, #tpu.memory_space<hbm>> -> memref<80x128xf32, #tpu.memory_space<hbm>>
        %dma_start3A_32 = arith.constant 0 : i32
        %dma_start3A_33 = tpu.memref_slice %arg6[%mul3A_29, %dma_start3A_32] : memref<320000x128xf32, #tpu.memory_space<hbm>> -> memref<80x128xf32, #tpu.memory_space<hbm>>
        tpu.enqueue_dma source(%arg10 : memref<80x128xf32, #tpu.memory_space<vmem>>) target(%dma_start3A_33 : memref<80x128xf32, #tpu.memory_space<hbm>>) target_semaphore(%run_scoped3A : memref<!tpu.dma_semaphore, #tpu.memory_space<semaphore_mem>>)
        %dma_wait3A_34 = arith.constant 0 : i32
        %dma_wait3A_35 = tpu.memref_slice %arg6[%mul3A_29, %dma_wait3A_34] : memref<320000x128xf32, #tpu.memory_space<hbm>> -> memref<80x128xf32, #tpu.memory_space<hbm>>
        %dma_wait3A_36 = arith.constant 0 : i32
        %dma_wait3A_37 = tpu.memref_slice %arg6[%mul3A_29, %dma_wait3A_36] : memref<320000x128xf32, #tpu.memory_space<hbm>> -> memref<80x128xf32, #tpu.memory_space<hbm>>
        tpu.wait_dma2 semaphore(%run_scoped3A : memref<!tpu.dma_semaphore, #tpu.memory_space<semaphore_mem>>) src(%arg10 : memref<80x128xf32, #tpu.memory_space<vmem>>) dst(%dma_wait3A_37 : memref<80x128xf32, #tpu.memory_space<hbm>>)
        tpu.yield
      }) : () -> ()
    }
    %scan3A_9 = arith.constant 125 : i32
    "tpu.region"() ({
      %run_scoped3A = tpu.sem_alloc : memref<!tpu.dma_semaphore, #tpu.memory_space<semaphore_mem>>
      %dma_start3A = arith.constant 0 : i32
      %dma_start3A_16 = arith.constant 0 : i32
      %dma_start3A_17 = tpu.memref_slice %arg5[%add3A, %dma_start3A, %dma_start3A_16] : memref<32x125x80xi32, #tpu.memory_space<hbm>> -> memref<1x125x80xi32, #tpu.memory_space<hbm>>
      %dma_start3A_18 = tpu.memref_squeeze %dma_start3A_17 : memref<1x125x80xi32, #tpu.memory_space<hbm>> -> memref<125x80xi32, #tpu.memory_space<hbm>>
      %dma_start3A_19 = arith.constant 0 : i32
      %dma_start3A_20 = arith.constant 0 : i32
      %dma_start3A_21 = tpu.memref_slice %arg5[%add3A, %dma_start3A_19, %dma_start3A_20] : memref<32x125x80xi32, #tpu.memory_space<hbm>> -> memref<1x125x80xi32, #tpu.memory_space<hbm>>
      %dma_start3A_22 = tpu.memref_squeeze %dma_start3A_21 : memref<1x125x80xi32, #tpu.memory_space<hbm>> -> memref<125x80xi32, #tpu.memory_space<hbm>>
      tpu.enqueue_dma source(%dma_start3A_22 : memref<125x80xi32, #tpu.memory_space<hbm>>) target(%arg9 : memref<125x80xi32, #tpu.memory_space<vmem>>) target_semaphore(%run_scoped3A : memref<!tpu.dma_semaphore, #tpu.memory_space<semaphore_mem>>)
      %dma_wait3A = arith.constant 0 : i32
      %dma_wait3A_23 = arith.constant 0 : i32
      %dma_wait3A_24 = tpu.memref_slice %arg5[%add3A, %dma_wait3A, %dma_wait3A_23] : memref<32x125x80xi32, #tpu.memory_space<hbm>> -> memref<1x125x80xi32, #tpu.memory_space<hbm>>
      %dma_wait3A_25 = tpu.memref_squeeze %dma_wait3A_24 : memref<1x125x80xi32, #tpu.memory_space<hbm>> -> memref<125x80xi32, #tpu.memory_space<hbm>>
      %dma_wait3A_26 = arith.constant 0 : i32
      %dma_wait3A_27 = arith.constant 0 : i32
      %dma_wait3A_28 = tpu.memref_slice %arg5[%add3A, %dma_wait3A_26, %dma_wait3A_27] : memref<32x125x80xi32, #tpu.memory_space<hbm>> -> memref<1x125x80xi32, #tpu.memory_space<hbm>>
      %dma_wait3A_29 = tpu.memref_squeeze %dma_wait3A_28 : memref<1x125x80xi32, #tpu.memory_space<hbm>> -> memref<125x80xi32, #tpu.memory_space<hbm>>
      tpu.wait_dma2 semaphore(%run_scoped3A : memref<!tpu.dma_semaphore, #tpu.memory_space<semaphore_mem>>) src(%dma_wait3A_29 : memref<125x80xi32, #tpu.memory_space<hbm>>) dst(%arg9 : memref<125x80xi32, #tpu.memory_space<vmem>>)
      tpu.yield
    }) : () -> ()
    %scan3A_10 = arith.constant 0 : i32
    %scan3A_11 = arith.constant 0 : i32
    %scan3A_12 = arith.constant 125 : i32
    %scan3A_13 = arith.addi %scan3A_11, %scan3A_12 : i32
    %scan3A_14 = arith.constant 1 : i32
    scf.for %scan3A_16 = %scan3A_11 to %scan3A_13 step %scan3A_14  : i32 {
      %dma_start3A = arith.constant 0 : i32
      %dma_start3A_17 = tpu.memref_slice %arg9[%scan3A_16, %dma_start3A] : memref<125x80xi32, #tpu.memory_space<vmem>> -> memref<1x80xi32, #tpu.memory_space<vmem>>
      %dma_start3A_18 = tpu.memref_squeeze %dma_start3A_17 : memref<1x80xi32, #tpu.memory_space<vmem>> -> memref<80xi32, #tpu.memory_space<vmem>>
      %dma_start3A_19 = arith.constant 0 : i32
      %dma_start3A_20 = arith.constant 0 : i32
      %dma_start3A_21 = tpu.memref_slice %arg2[%dma_start3A_19, %dma_start3A_20] : memref<320000x128xf32, #tpu.memory_space<hbm>> -> memref<320000x128xf32, #tpu.memory_space<hbm>>
      tpu.enqueue_indirect_dma source(%dma_start3A_21 : memref<320000x128xf32, #tpu.memory_space<hbm>>) target(%arg11 : memref<80x128xf32, #tpu.memory_space<vmem>>) offsets(%dma_start3A_18 : memref<80xi32, #tpu.memory_space<vmem>>) semaphore(%arg12 : memref<!tpu.dma_semaphore, #tpu.memory_space<semaphore_mem>>)
      %dma_wait3A = arith.constant 0 : i32
      %dma_wait3A_22 = tpu.memref_slice %arg9[%scan3A_16, %dma_wait3A] : memref<125x80xi32, #tpu.memory_space<vmem>> -> memref<1x80xi32, #tpu.memory_space<vmem>>
      %dma_wait3A_23 = tpu.memref_squeeze %dma_wait3A_22 : memref<1x80xi32, #tpu.memory_space<vmem>> -> memref<80xi32, #tpu.memory_space<vmem>>
      %dma_wait3A_24 = arith.constant 0 : i32
      %dma_wait3A_25 = arith.constant 0 : i32
      %dma_wait3A_26 = tpu.memref_slice %arg2[%dma_wait3A_24, %dma_wait3A_25] : memref<320000x128xf32, #tpu.memory_space<hbm>> -> memref<320000x128xf32, #tpu.memory_space<hbm>>
      tpu.wait_indirect_dma semaphore(%arg12 : memref<!tpu.dma_semaphore, #tpu.memory_space<semaphore_mem>>) src(%dma_wait3A_26 : memref<320000x128xf32, #tpu.memory_space<hbm>>) dst(%arg11 : memref<80x128xf32, #tpu.memory_space<vmem>>)
      %add3A_27 = arith.addi %mul3A_2, %scan3A_16 : i32
      %mul3A_28 = arith.constant 80 : i32
      %mul3A_29 = arith.muli %add3A_27, %mul3A_28 : i32
      "tpu.region"() ({
        %run_scoped3A = tpu.sem_alloc : memref<!tpu.dma_semaphore, #tpu.memory_space<semaphore_mem>>
        %dma_start3A_30 = arith.constant 0 : i32
        %dma_start3A_31 = tpu.memref_slice %arg7[%mul3A_29, %dma_start3A_30] : memref<320000x128xf32, #tpu.memory_space<hbm>> -> memref<80x128xf32, #tpu.memory_space<hbm>>
        %dma_start3A_32 = arith.constant 0 : i32
        %dma_start3A_33 = tpu.memref_slice %arg7[%mul3A_29, %dma_start3A_32] : memref<320000x128xf32, #tpu.memory_space<hbm>> -> memref<80x128xf32, #tpu.memory_space<hbm>>
        tpu.enqueue_dma source(%arg11 : memref<80x128xf32, #tpu.memory_space<vmem>>) target(%dma_start3A_33 : memref<80x128xf32, #tpu.memory_space<hbm>>) target_semaphore(%run_scoped3A : memref<!tpu.dma_semaphore, #tpu.memory_space<semaphore_mem>>)
        %dma_wait3A_34 = arith.constant 0 : i32
        %dma_wait3A_35 = tpu.memref_slice %arg7[%mul3A_29, %dma_wait3A_34] : memref<320000x128xf32, #tpu.memory_space<hbm>> -> memref<80x128xf32, #tpu.memory_space<hbm>>
        %dma_wait3A_36 = arith.constant 0 : i32
        %dma_wait3A_37 = tpu.memref_slice %arg7[%mul3A_29, %dma_wait3A_36] : memref<320000x128xf32, #tpu.memory_space<hbm>> -> memref<80x128xf32, #tpu.memory_space<hbm>>
        tpu.wait_dma2 semaphore(%run_scoped3A : memref<!tpu.dma_semaphore, #tpu.memory_space<semaphore_mem>>) src(%arg11 : memref<80x128xf32, #tpu.memory_space<vmem>>) dst(%dma_wait3A_37 : memref<80x128xf32, #tpu.memory_space<hbm>>)
        tpu.yield
      }) : () -> ()
    }
    %scan3A_15 = arith.constant 125 : i32
    return
  }
}

#map = affine_map<(d0, d1) -> (0, 0)>
#map1 = affine_map<(d0, d1) -> (0, 0, 0)>
module attributes {stable_mosaic.version = 14 : i64} {
  func.func @body(%arg0: i32, %arg1: i32, %arg2: memref<320000x128xf32, #tpu.memory_space<hbm>>, %arg3: memref<10000x128xf32, #tpu.memory_space<hbm>>, %arg4: memref<32x125x80xi32, #tpu.memory_space<hbm>>, %arg5: memref<32x125x80xi32, #tpu.memory_space<hbm>>, %arg6: memref<320000x128xf32, #tpu.memory_space<hbm>>, %arg7: memref<320000x128xf32, #tpu.memory_space<hbm>>, %arg8: memref<10000x128xf32, #tpu.memory_space<vmem_shared>>, %arg9: memref<125x80xi32, #tpu.memory_space<vmem>>, %arg10: memref<80x128xf32, #tpu.memory_space<vmem>>, %arg11: memref<80x128xf32, #tpu.memory_space<vmem>>, %arg12: memref<!tpu.dma_semaphore, #tpu.memory_space<semaphore_mem>>) attributes {dimension_semantics = [#tpu.dimension_semantics<core_parallel>, #tpu.dimension_semantics<subcore_parallel>], iteration_bounds = array<i64: 2, 16>, scalar_prefetch = 0 : i64, scratch_operands = 5 : i64, tpu.core_type = #tpu.core_type<sc_vector_subcore>, window_params = [{transform_indices = #map}, {transform_indices = #map}, {transform_indices = #map1}, {transform_indices = #map1}, {transform_indices = #map}, {transform_indices = #map}]} {
    %mul3A = arith.constant 2 : i32
    %mul3A_0 = arith.muli %arg1, %mul3A : i32
    %add3A = arith.addi %mul3A_0, %arg0 : i32
    %mul3A_1 = arith.constant 125 : i32
    %mul3A_2 = arith.muli %add3A, %mul3A_1 : i32
    %eq3A = arith.constant 0 : i32
    %eq3A_3 = arith.cmpi eq, %arg1, %eq3A : i32
    %convert_element_type3A = arith.extui %eq3A_3 : i1 to i32
    %cond3A = arith.constant 0 : i32
    %cond3A_4 = arith.cmpi ne, %convert_element_type3A, %cond3A : i32
    scf.if %cond3A_4 {
      "tpu.region"() ({
        %run_scoped3A = tpu.sem_alloc : memref<!tpu.dma_semaphore, #tpu.memory_space<semaphore_mem>>
        tpu.enqueue_dma source(%arg3 : memref<10000x128xf32, #tpu.memory_space<hbm>>) target(%arg8 : memref<10000x128xf32, #tpu.memory_space<vmem_shared>>) target_semaphore(%run_scoped3A : memref<!tpu.dma_semaphore, #tpu.memory_space<semaphore_mem>>)
        tpu.wait_dma2 semaphore(%run_scoped3A : memref<!tpu.dma_semaphore, #tpu.memory_space<semaphore_mem>>) src(%arg3 : memref<10000x128xf32, #tpu.memory_space<hbm>>) dst(%arg8 : memref<10000x128xf32, #tpu.memory_space<vmem_shared>>)
        tpu.yield
      }) : () -> ()
    } else {
    }
    %barrier3A = arith.constant 0 : index
    tpu.barrier barrier_id(%barrier3A)
    "tpu.region"() ({
      %run_scoped3A = tpu.sem_alloc : memref<!tpu.dma_semaphore, #tpu.memory_space<semaphore_mem>>
      %dma_start3A = arith.constant 0 : i32
      %dma_start3A_16 = arith.constant 0 : i32
      %dma_start3A_17 = tpu.memref_slice %arg4[%add3A, %dma_start3A, %dma_start3A_16] : memref<32x125x80xi32, #tpu.memory_space<hbm>> -> memref<1x125x80xi32, #tpu.memory_space<hbm>>
      %dma_start3A_18 = tpu.memref_squeeze %dma_start3A_17 : memref<1x125x80xi32, #tpu.memory_space<hbm>> -> memref<125x80xi32, #tpu.memory_space<hbm>>
      %dma_start3A_19 = arith.constant 0 : i32
      %dma_start3A_20 = arith.constant 0 : i32
      %dma_start3A_21 = tpu.memref_slice %arg4[%add3A, %dma_start3A_19, %dma_start3A_20] : memref<32x125x80xi32, #tpu.memory_space<hbm>> -> memref<1x125x80xi32, #tpu.memory_space<hbm>>
      %dma_start3A_22 = tpu.memref_squeeze %dma_start3A_21 : memref<1x125x80xi32, #tpu.memory_space<hbm>> -> memref<125x80xi32, #tpu.memory_space<hbm>>
      tpu.enqueue_dma source(%dma_start3A_22 : memref<125x80xi32, #tpu.memory_space<hbm>>) target(%arg9 : memref<125x80xi32, #tpu.memory_space<vmem>>) target_semaphore(%run_scoped3A : memref<!tpu.dma_semaphore, #tpu.memory_space<semaphore_mem>>)
      %dma_wait3A = arith.constant 0 : i32
      %dma_wait3A_23 = arith.constant 0 : i32
      %dma_wait3A_24 = tpu.memref_slice %arg4[%add3A, %dma_wait3A, %dma_wait3A_23] : memref<32x125x80xi32, #tpu.memory_space<hbm>> -> memref<1x125x80xi32, #tpu.memory_space<hbm>>
      %dma_wait3A_25 = tpu.memref_squeeze %dma_wait3A_24 : memref<1x125x80xi32, #tpu.memory_space<hbm>> -> memref<125x80xi32, #tpu.memory_space<hbm>>
      %dma_wait3A_26 = arith.constant 0 : i32
      %dma_wait3A_27 = arith.constant 0 : i32
      %dma_wait3A_28 = tpu.memref_slice %arg4[%add3A, %dma_wait3A_26, %dma_wait3A_27] : memref<32x125x80xi32, #tpu.memory_space<hbm>> -> memref<1x125x80xi32, #tpu.memory_space<hbm>>
      %dma_wait3A_29 = tpu.memref_squeeze %dma_wait3A_28 : memref<1x125x80xi32, #tpu.memory_space<hbm>> -> memref<125x80xi32, #tpu.memory_space<hbm>>
      tpu.wait_dma2 semaphore(%run_scoped3A : memref<!tpu.dma_semaphore, #tpu.memory_space<semaphore_mem>>) src(%dma_wait3A_29 : memref<125x80xi32, #tpu.memory_space<hbm>>) dst(%arg9 : memref<125x80xi32, #tpu.memory_space<vmem>>)
      tpu.yield
    }) : () -> ()
    %scan3A = arith.constant 0 : i32
    %scan3A_5 = arith.constant 0 : i32
    %scan3A_6 = arith.constant 125 : i32
    %scan3A_7 = arith.addi %scan3A_5, %scan3A_6 : i32
    %scan3A_8 = arith.constant 1 : i32
    scf.for %scan3A_16 = %scan3A_5 to %scan3A_7 step %scan3A_8  : i32 {
      %dma_start3A = arith.constant 0 : i32
      %dma_start3A_17 = tpu.memref_slice %arg9[%scan3A_16, %dma_start3A] : memref<125x80xi32, #tpu.memory_space<vmem>> -> memref<1x80xi32, #tpu.memory_space<vmem>>
      %dma_start3A_18 = tpu.memref_squeeze %dma_start3A_17 : memref<1x80xi32, #tpu.memory_space<vmem>> -> memref<80xi32, #tpu.memory_space<vmem>>
      %dma_start3A_19 = arith.constant 0 : i32
      %dma_start3A_20 = arith.constant 0 : i32
      %dma_start3A_21 = tpu.memref_slice %arg8[%dma_start3A_19, %dma_start3A_20] : memref<10000x128xf32, #tpu.memory_space<vmem_shared>> -> memref<10000x128xf32, #tpu.memory_space<vmem_shared>>
      tpu.enqueue_indirect_dma source(%dma_start3A_21 : memref<10000x128xf32, #tpu.memory_space<vmem_shared>>) target(%arg10 : memref<80x128xf32, #tpu.memory_space<vmem>>) offsets(%dma_start3A_18 : memref<80xi32, #tpu.memory_space<vmem>>) semaphore(%arg12 : memref<!tpu.dma_semaphore, #tpu.memory_space<semaphore_mem>>)
      %dma_wait3A = arith.constant 0 : i32
      %dma_wait3A_22 = tpu.memref_slice %arg9[%scan3A_16, %dma_wait3A] : memref<125x80xi32, #tpu.memory_space<vmem>> -> memref<1x80xi32, #tpu.memory_space<vmem>>
      %dma_wait3A_23 = tpu.memref_squeeze %dma_wait3A_22 : memref<1x80xi32, #tpu.memory_space<vmem>> -> memref<80xi32, #tpu.memory_space<vmem>>
      %dma_wait3A_24 = arith.constant 0 : i32
      %dma_wait3A_25 = arith.constant 0 : i32
      %dma_wait3A_26 = tpu.memref_slice %arg8[%dma_wait3A_24, %dma_wait3A_25] : memref<10000x128xf32, #tpu.memory_space<vmem_shared>> -> memref<10000x128xf32, #tpu.memory_space<vmem_shared>>
      tpu.wait_indirect_dma semaphore(%arg12 : memref<!tpu.dma_semaphore, #tpu.memory_space<semaphore_mem>>) src(%dma_wait3A_26 : memref<10000x128xf32, #tpu.memory_space<vmem_shared>>) dst(%arg10 : memref<80x128xf32, #tpu.memory_space<vmem>>)
      %add3A_27 = arith.addi %mul3A_2, %scan3A_16 : i32
      %mul3A_28 = arith.constant 80 : i32
      %mul3A_29 = arith.muli %add3A_27, %mul3A_28 : i32
      "tpu.region"() ({
        %run_scoped3A = tpu.sem_alloc : memref<!tpu.dma_semaphore, #tpu.memory_space<semaphore_mem>>
        %dma_start3A_30 = arith.constant 0 : i32
        %dma_start3A_31 = tpu.memref_slice %arg6[%mul3A_29, %dma_start3A_30] : memref<320000x128xf32, #tpu.memory_space<hbm>> -> memref<80x128xf32, #tpu.memory_space<hbm>>
        %dma_start3A_32 = arith.constant 0 : i32
        %dma_start3A_33 = tpu.memref_slice %arg6[%mul3A_29, %dma_start3A_32] : memref<320000x128xf32, #tpu.memory_space<hbm>> -> memref<80x128xf32, #tpu.memory_space<hbm>>
        tpu.enqueue_dma source(%arg10 : memref<80x128xf32, #tpu.memory_space<vmem>>) target(%dma_start3A_33 : memref<80x128xf32, #tpu.memory_space<hbm>>) target_semaphore(%run_scoped3A : memref<!tpu.dma_semaphore, #tpu.memory_space<semaphore_mem>>)
        %dma_wait3A_34 = arith.constant 0 : i32
        %dma_wait3A_35 = tpu.memref_slice %arg6[%mul3A_29, %dma_wait3A_34] : memref<320000x128xf32, #tpu.memory_space<hbm>> -> memref<80x128xf32, #tpu.memory_space<hbm>>
        %dma_wait3A_36 = arith.constant 0 : i32
        %dma_wait3A_37 = tpu.memref_slice %arg6[%mul3A_29, %dma_wait3A_36] : memref<320000x128xf32, #tpu.memory_space<hbm>> -> memref<80x128xf32, #tpu.memory_space<hbm>>
        tpu.wait_dma2 semaphore(%run_scoped3A : memref<!tpu.dma_semaphore, #tpu.memory_space<semaphore_mem>>) src(%arg10 : memref<80x128xf32, #tpu.memory_space<vmem>>) dst(%dma_wait3A_37 : memref<80x128xf32, #tpu.memory_space<hbm>>)
        tpu.yield
      }) : () -> ()
    }
    %scan3A_9 = arith.constant 125 : i32
    "tpu.region"() ({
      %run_scoped3A = tpu.sem_alloc : memref<!tpu.dma_semaphore, #tpu.memory_space<semaphore_mem>>
      %dma_start3A = arith.constant 0 : i32
      %dma_start3A_16 = arith.constant 0 : i32
      %dma_start3A_17 = tpu.memref_slice %arg5[%add3A, %dma_start3A, %dma_start3A_16] : memref<32x125x80xi32, #tpu.memory_space<hbm>> -> memref<1x125x80xi32, #tpu.memory_space<hbm>>
      %dma_start3A_18 = tpu.memref_squeeze %dma_start3A_17 : memref<1x125x80xi32, #tpu.memory_space<hbm>> -> memref<125x80xi32, #tpu.memory_space<hbm>>
      %dma_start3A_19 = arith.constant 0 : i32
      %dma_start3A_20 = arith.constant 0 : i32
      %dma_start3A_21 = tpu.memref_slice %arg5[%add3A, %dma_start3A_19, %dma_start3A_20] : memref<32x125x80xi32, #tpu.memory_space<hbm>> -> memref<1x125x80xi32, #tpu.memory_space<hbm>>
      %dma_start3A_22 = tpu.memref_squeeze %dma_start3A_21 : memref<1x125x80xi32, #tpu.memory_space<hbm>> -> memref<125x80xi32, #tpu.memory_space<hbm>>
      tpu.enqueue_dma source(%dma_start3A_22 : memref<125x80xi32, #tpu.memory_space<hbm>>) target(%arg9 : memref<125x80xi32, #tpu.memory_space<vmem>>) target_semaphore(%run_scoped3A : memref<!tpu.dma_semaphore, #tpu.memory_space<semaphore_mem>>)
      %dma_wait3A = arith.constant 0 : i32
      %dma_wait3A_23 = arith.constant 0 : i32
      %dma_wait3A_24 = tpu.memref_slice %arg5[%add3A, %dma_wait3A, %dma_wait3A_23] : memref<32x125x80xi32, #tpu.memory_space<hbm>> -> memref<1x125x80xi32, #tpu.memory_space<hbm>>
      %dma_wait3A_25 = tpu.memref_squeeze %dma_wait3A_24 : memref<1x125x80xi32, #tpu.memory_space<hbm>> -> memref<125x80xi32, #tpu.memory_space<hbm>>
      %dma_wait3A_26 = arith.constant 0 : i32
      %dma_wait3A_27 = arith.constant 0 : i32
      %dma_wait3A_28 = tpu.memref_slice %arg5[%add3A, %dma_wait3A_26, %dma_wait3A_27] : memref<32x125x80xi32, #tpu.memory_space<hbm>> -> memref<1x125x80xi32, #tpu.memory_space<hbm>>
      %dma_wait3A_29 = tpu.memref_squeeze %dma_wait3A_28 : memref<1x125x80xi32, #tpu.memory_space<hbm>> -> memref<125x80xi32, #tpu.memory_space<hbm>>
      tpu.wait_dma2 semaphore(%run_scoped3A : memref<!tpu.dma_semaphore, #tpu.memory_space<semaphore_mem>>) src(%dma_wait3A_29 : memref<125x80xi32, #tpu.memory_space<hbm>>) dst(%arg9 : memref<125x80xi32, #tpu.memory_space<vmem>>)
      tpu.yield
    }) : () -> ()
    %scan3A_10 = arith.constant 0 : i32
    %scan3A_11 = arith.constant 0 : i32
    %scan3A_12 = arith.constant 125 : i32
    %scan3A_13 = arith.addi %scan3A_11, %scan3A_12 : i32
    %scan3A_14 = arith.constant 1 : i32
    scf.for %scan3A_16 = %scan3A_11 to %scan3A_13 step %scan3A_14  : i32 {
      %dma_start3A = arith.constant 0 : i32
      %dma_start3A_17 = tpu.memref_slice %arg9[%scan3A_16, %dma_start3A] : memref<125x80xi32, #tpu.memory_space<vmem>> -> memref<1x80xi32, #tpu.memory_space<vmem>>
      %dma_start3A_18 = tpu.memref_squeeze %dma_start3A_17 : memref<1x80xi32, #tpu.memory_space<vmem>> -> memref<80xi32, #tpu.memory_space<vmem>>
      %dma_start3A_19 = arith.constant 0 : i32
      %dma_start3A_20 = arith.constant 0 : i32
      %dma_start3A_21 = tpu.memref_slice %arg2[%dma_start3A_19, %dma_start3A_20] : memref<320000x128xf32, #tpu.memory_space<hbm>> -> memref<320000x128xf32, #tpu.memory_space<hbm>>
      tpu.enqueue_indirect_dma source(%dma_start3A_21 : memref<320000x128xf32, #tpu.memory_space<hbm>>) target(%arg11 : memref<80x128xf32, #tpu.memory_space<vmem>>) offsets(%dma_start3A_18 : memref<80xi32, #tpu.memory_space<vmem>>) semaphore(%arg12 : memref<!tpu.dma_semaphore, #tpu.memory_space<semaphore_mem>>)
      %dma_wait3A = arith.constant 0 : i32
      %dma_wait3A_22 = tpu.memref_slice %arg9[%scan3A_16, %dma_wait3A] : memref<125x80xi32, #tpu.memory_space<vmem>> -> memref<1x80xi32, #tpu.memory_space<vmem>>
      %dma_wait3A_23 = tpu.memref_squeeze %dma_wait3A_22 : memref<1x80xi32, #tpu.memory_space<vmem>> -> memref<80xi32, #tpu.memory_space<vmem>>
      %dma_wait3A_24 = arith.constant 0 : i32
      %dma_wait3A_25 = arith.constant 0 : i32
      %dma_wait3A_26 = tpu.memref_slice %arg2[%dma_wait3A_24, %dma_wait3A_25] : memref<320000x128xf32, #tpu.memory_space<hbm>> -> memref<320000x128xf32, #tpu.memory_space<hbm>>
      tpu.wait_indirect_dma semaphore(%arg12 : memref<!tpu.dma_semaphore, #tpu.memory_space<semaphore_mem>>) src(%dma_wait3A_26 : memref<320000x128xf32, #tpu.memory_space<hbm>>) dst(%arg11 : memref<80x128xf32, #tpu.memory_space<vmem>>)
      %add3A_27 = arith.addi %mul3A_2, %scan3A_16 : i32
      %mul3A_28 = arith.constant 80 : i32
      %mul3A_29 = arith.muli %add3A_27, %mul3A_28 : i32
      "tpu.region"() ({
        %run_scoped3A = tpu.sem_alloc : memref<!tpu.dma_semaphore, #tpu.memory_space<semaphore_mem>>
        %dma_start3A_30 = arith.constant 0 : i32
        %dma_start3A_31 = tpu.memref_slice %arg7[%mul3A_29, %dma_start3A_30] : memref<320000x128xf32, #tpu.memory_space<hbm>> -> memref<80x128xf32, #tpu.memory_space<hbm>>
        %dma_start3A_32 = arith.constant 0 : i32
        %dma_start3A_33 = tpu.memref_slice %arg7[%mul3A_29, %dma_start3A_32] : memref<320000x128xf32, #tpu.memory_space<hbm>> -> memref<80x128xf32, #tpu.memory_space<hbm>>
        tpu.enqueue_dma source(%arg11 : memref<80x128xf32, #tpu.memory_space<vmem>>) target(%dma_start3A_33 : memref<80x128xf32, #tpu.memory_space<hbm>>) target_semaphore(%run_scoped3A : memref<!tpu.dma_semaphore, #tpu.memory_space<semaphore_mem>>)
        %dma_wait3A_34 = arith.constant 0 : i32
        %dma_wait3A_35 = tpu.memref_slice %arg7[%mul3A_29, %dma_wait3A_34] : memref<320000x128xf32, #tpu.memory_space<hbm>> -> memref<80x128xf32, #tpu.memory_space<hbm>>
        %dma_wait3A_36 = arith.constant 0 : i32
        %dma_wait3A_37 = tpu.memref_slice %arg7[%mul3A_29, %dma_wait3A_36] : memref<320000x128xf32, #tpu.memory_space<hbm>> -> memref<80x128xf32, #tpu.memory_space<hbm>>
        tpu.wait_dma2 semaphore(%run_scoped3A : memref<!tpu.dma_semaphore, #tpu.memory_space<semaphore_mem>>) src(%arg11 : memref<80x128xf32, #tpu.memory_space<vmem>>) dst(%dma_wait3A_37 : memref<80x128xf32, #tpu.memory_space<hbm>>)
        tpu.yield
      }) : () -> ()
    }
    %scan3A_15 = arith.constant 125 : i32
    return
  }
}

#map = affine_map<(d0, d1) -> (0, 0)>
#map1 = affine_map<(d0, d1) -> (0, 0, 0)>
module attributes {stable_mosaic.version = 14 : i64} {
  func.func @body(%arg0: i32, %arg1: i32, %arg2: memref<320000x128xf32, #tpu.memory_space<hbm>>, %arg3: memref<10000x128xf32, #tpu.memory_space<hbm>>, %arg4: memref<32x125x80xi32, #tpu.memory_space<hbm>>, %arg5: memref<2x10000x128xf32, #tpu.memory_space<hbm>>, %arg6: memref<10000x128xf32, #tpu.memory_space<vmem_shared>>, %arg7: memref<125x80xi32, #tpu.memory_space<vmem>>, %arg8: memref<80x128xf32, #tpu.memory_space<vmem>>, %arg9: memref<80x128xf32, #tpu.memory_space<vmem>>, %arg10: memref<!tpu.dma_semaphore, #tpu.memory_space<semaphore_mem>>) attributes {dimension_semantics = [#tpu.dimension_semantics<core_parallel>, #tpu.dimension_semantics<subcore_parallel>], iteration_bounds = array<i64: 2, 16>, scalar_prefetch = 0 : i64, scratch_operands = 5 : i64, tpu.core_type = #tpu.core_type<sc_vector_subcore>, window_params = [{transform_indices = #map}, {transform_indices = #map}, {transform_indices = #map1}, {transform_indices = #map1}]} {
    %mul3A = arith.constant 2 : i32
    %mul3A_0 = arith.muli %arg1, %mul3A : i32
    %add3A = arith.addi %mul3A_0, %arg0 : i32
    %mul3A_1 = arith.constant 125 : i32
    %mul3A_2 = arith.muli %add3A, %mul3A_1 : i32
    %eq3A = arith.constant 0 : i32
    %eq3A_3 = arith.cmpi eq, %arg1, %eq3A : i32
    %convert_element_type3A = arith.extui %eq3A_3 : i1 to i32
    %cond3A = arith.constant 0 : i32
    %cond3A_4 = arith.cmpi ne, %convert_element_type3A, %cond3A : i32
    scf.if %cond3A_4 {
      "tpu.region"() ({
        %run_scoped3A = tpu.sem_alloc : memref<!tpu.dma_semaphore, #tpu.memory_space<semaphore_mem>>
        tpu.enqueue_dma source(%arg3 : memref<10000x128xf32, #tpu.memory_space<hbm>>) target(%arg6 : memref<10000x128xf32, #tpu.memory_space<vmem_shared>>) target_semaphore(%run_scoped3A : memref<!tpu.dma_semaphore, #tpu.memory_space<semaphore_mem>>)
        tpu.wait_dma2 semaphore(%run_scoped3A : memref<!tpu.dma_semaphore, #tpu.memory_space<semaphore_mem>>) src(%arg3 : memref<10000x128xf32, #tpu.memory_space<hbm>>) dst(%arg6 : memref<10000x128xf32, #tpu.memory_space<vmem_shared>>)
        tpu.yield
      }) : () -> ()
    } else {
    }
    %barrier3A = arith.constant 0 : index
    tpu.barrier barrier_id(%barrier3A)
    "tpu.region"() ({
      %run_scoped3A = tpu.sem_alloc : memref<!tpu.dma_semaphore, #tpu.memory_space<semaphore_mem>>
      %dma_start3A = arith.constant 0 : i32
      %dma_start3A_16 = arith.constant 0 : i32
      %dma_start3A_17 = tpu.memref_slice %arg4[%add3A, %dma_start3A, %dma_start3A_16] : memref<32x125x80xi32, #tpu.memory_space<hbm>> -> memref<1x125x80xi32, #tpu.memory_space<hbm>>
      %dma_start3A_18 = tpu.memref_squeeze %dma_start3A_17 : memref<1x125x80xi32, #tpu.memory_space<hbm>> -> memref<125x80xi32, #tpu.memory_space<hbm>>
      %dma_start3A_19 = arith.constant 0 : i32
      %dma_start3A_20 = arith.constant 0 : i32
      %dma_start3A_21 = tpu.memref_slice %arg4[%add3A, %dma_start3A_19, %dma_start3A_20] : memref<32x125x80xi32, #tpu.memory_space<hbm>> -> memref<1x125x80xi32, #tpu.memory_space<hbm>>
      %dma_start3A_22 = tpu.memref_squeeze %dma_start3A_21 : memref<1x125x80xi32, #tpu.memory_space<hbm>> -> memref<125x80xi32, #tpu.memory_space<hbm>>
      tpu.enqueue_dma source(%dma_start3A_22 : memref<125x80xi32, #tpu.memory_space<hbm>>) target(%arg7 : memref<125x80xi32, #tpu.memory_space<vmem>>) target_semaphore(%run_scoped3A : memref<!tpu.dma_semaphore, #tpu.memory_space<semaphore_mem>>)
      %dma_wait3A = arith.constant 0 : i32
      %dma_wait3A_23 = arith.constant 0 : i32
      %dma_wait3A_24 = tpu.memref_slice %arg4[%add3A, %dma_wait3A, %dma_wait3A_23] : memref<32x125x80xi32, #tpu.memory_space<hbm>> -> memref<1x125x80xi32, #tpu.memory_space<hbm>>
      %dma_wait3A_25 = tpu.memref_squeeze %dma_wait3A_24 : memref<1x125x80xi32, #tpu.memory_space<hbm>> -> memref<125x80xi32, #tpu.memory_space<hbm>>
      %dma_wait3A_26 = arith.constant 0 : i32
      %dma_wait3A_27 = arith.constant 0 : i32
      %dma_wait3A_28 = tpu.memref_slice %arg4[%add3A, %dma_wait3A_26, %dma_wait3A_27] : memref<32x125x80xi32, #tpu.memory_space<hbm>> -> memref<1x125x80xi32, #tpu.memory_space<hbm>>
      %dma_wait3A_29 = tpu.memref_squeeze %dma_wait3A_28 : memref<1x125x80xi32, #tpu.memory_space<hbm>> -> memref<125x80xi32, #tpu.memory_space<hbm>>
      tpu.wait_dma2 semaphore(%run_scoped3A : memref<!tpu.dma_semaphore, #tpu.memory_space<semaphore_mem>>) src(%dma_wait3A_29 : memref<125x80xi32, #tpu.memory_space<hbm>>) dst(%arg7 : memref<125x80xi32, #tpu.memory_space<vmem>>)
      tpu.yield
    }) : () -> ()
    %scan3A = arith.constant 0 : i32
    %scan3A_5 = arith.constant 0 : i32
    %scan3A_6 = arith.constant 125 : i32
    %scan3A_7 = arith.addi %scan3A_5, %scan3A_6 : i32
    %scan3A_8 = arith.constant 1 : i32
    scf.for %scan3A_16 = %scan3A_5 to %scan3A_7 step %scan3A_8  : i32 {
      %add3A_17 = arith.addi %mul3A_2, %scan3A_16 : i32
      %mul3A_18 = arith.constant 80 : i32
      %mul3A_19 = arith.muli %add3A_17, %mul3A_18 : i32
      "tpu.region"() ({
        %run_scoped3A = tpu.sem_alloc : memref<!tpu.dma_semaphore, #tpu.memory_space<semaphore_mem>>
        %dma_start3A = arith.constant 0 : i32
        %dma_start3A_20 = tpu.memref_slice %arg2[%mul3A_19, %dma_start3A] : memref<320000x128xf32, #tpu.memory_space<hbm>> -> memref<80x128xf32, #tpu.memory_space<hbm>>
        %dma_start3A_21 = arith.constant 0 : i32
        %dma_start3A_22 = tpu.memref_slice %arg2[%mul3A_19, %dma_start3A_21] : memref<320000x128xf32, #tpu.memory_space<hbm>> -> memref<80x128xf32, #tpu.memory_space<hbm>>
        tpu.enqueue_dma source(%dma_start3A_22 : memref<80x128xf32, #tpu.memory_space<hbm>>) target(%arg8 : memref<80x128xf32, #tpu.memory_space<vmem>>) target_semaphore(%run_scoped3A : memref<!tpu.dma_semaphore, #tpu.memory_space<semaphore_mem>>)
        %dma_wait3A = arith.constant 0 : i32
        %dma_wait3A_23 = tpu.memref_slice %arg2[%mul3A_19, %dma_wait3A] : memref<320000x128xf32, #tpu.memory_space<hbm>> -> memref<80x128xf32, #tpu.memory_space<hbm>>
        %dma_wait3A_24 = arith.constant 0 : i32
        %dma_wait3A_25 = tpu.memref_slice %arg2[%mul3A_19, %dma_wait3A_24] : memref<320000x128xf32, #tpu.memory_space<hbm>> -> memref<80x128xf32, #tpu.memory_space<hbm>>
        tpu.wait_dma2 semaphore(%run_scoped3A : memref<!tpu.dma_semaphore, #tpu.memory_space<semaphore_mem>>) src(%dma_wait3A_25 : memref<80x128xf32, #tpu.memory_space<hbm>>) dst(%arg8 : memref<80x128xf32, #tpu.memory_space<vmem>>)
        tpu.yield
      }) : () -> ()
      "tpu.region"() ({
        %run_scoped3A = tpu.sem_alloc : memref<!tpu.dma_semaphore, #tpu.memory_space<semaphore_mem>>
        %dma_start3A = arith.constant 0 : i32
        %dma_start3A_20 = tpu.memref_slice %arg7[%scan3A_16, %dma_start3A] : memref<125x80xi32, #tpu.memory_space<vmem>> -> memref<1x80xi32, #tpu.memory_space<vmem>>
        %dma_start3A_21 = tpu.memref_squeeze %dma_start3A_20 : memref<1x80xi32, #tpu.memory_space<vmem>> -> memref<80xi32, #tpu.memory_space<vmem>>
        %dma_start3A_22 = arith.constant 0 : i32
        %dma_start3A_23 = arith.constant 0 : i32
        %dma_start3A_24 = tpu.memref_slice %arg6[%dma_start3A_22, %dma_start3A_23] : memref<10000x128xf32, #tpu.memory_space<vmem_shared>> -> memref<10000x128xf32, #tpu.memory_space<vmem_shared>>
        tpu.enqueue_indirect_dma source(%arg8 : memref<80x128xf32, #tpu.memory_space<vmem>>) target(%dma_start3A_24 : memref<10000x128xf32, #tpu.memory_space<vmem_shared>>) offsets(%dma_start3A_21 : memref<80xi32, #tpu.memory_space<vmem>>) semaphore(%run_scoped3A : memref<!tpu.dma_semaphore, #tpu.memory_space<semaphore_mem>>) {add = true}
        %dma_wait3A = arith.constant 0 : i32
        %dma_wait3A_25 = tpu.memref_slice %arg7[%scan3A_16, %dma_wait3A] : memref<125x80xi32, #tpu.memory_space<vmem>> -> memref<1x80xi32, #tpu.memory_space<vmem>>
        %dma_wait3A_26 = tpu.memref_squeeze %dma_wait3A_25 : memref<1x80xi32, #tpu.memory_space<vmem>> -> memref<80xi32, #tpu.memory_space<vmem>>
        %dma_wait3A_27 = arith.constant 0 : i32
        %dma_wait3A_28 = arith.constant 0 : i32
        %dma_wait3A_29 = tpu.memref_slice %arg6[%dma_wait3A_27, %dma_wait3A_28] : memref<10000x128xf32, #tpu.memory_space<vmem_shared>> -> memref<10000x128xf32, #tpu.memory_space<vmem_shared>>
        tpu.wait_indirect_dma semaphore(%run_scoped3A : memref<!tpu.dma_semaphore, #tpu.memory_space<semaphore_mem>>) src(%arg8 : memref<80x128xf32, #tpu.memory_space<vmem>>) dst(%dma_wait3A_29 : memref<10000x128xf32, #tpu.memory_space<vmem_shared>>)
        tpu.yield
      }) : () -> ()
    }
    %scan3A_9 = arith.constant 125 : i32
    %barrier3A_10 = arith.constant 0 : index
    tpu.barrier barrier_id(%barrier3A_10)
    %eq3A_11 = arith.constant 0 : i32
    %eq3A_12 = arith.cmpi eq, %arg1, %eq3A_11 : i32
    %convert_element_type3A_13 = arith.extui %eq3A_12 : i1 to i32
    %cond3A_14 = arith.constant 0 : i32
    %cond3A_15 = arith.cmpi ne, %convert_element_type3A_13, %cond3A_14 : i32
    scf.if %cond3A_15 {
      "tpu.region"() ({
        %run_scoped3A = tpu.sem_alloc : memref<!tpu.dma_semaphore, #tpu.memory_space<semaphore_mem>>
        %dma_start3A = arith.constant 0 : i32
        %dma_start3A_16 = arith.constant 0 : i32
        %dma_start3A_17 = tpu.memref_slice %arg5[%arg0, %dma_start3A, %dma_start3A_16] : memref<2x10000x128xf32, #tpu.memory_space<hbm>> -> memref<1x10000x128xf32, #tpu.memory_space<hbm>>
        %dma_start3A_18 = tpu.memref_squeeze %dma_start3A_17 : memref<1x10000x128xf32, #tpu.memory_space<hbm>> -> memref<10000x128xf32, #tpu.memory_space<hbm>>
        tpu.enqueue_dma source(%arg6 : memref<10000x128xf32, #tpu.memory_space<vmem_shared>>) target(%dma_start3A_18 : memref<10000x128xf32, #tpu.memory_space<hbm>>) target_semaphore(%run_scoped3A : memref<!tpu.dma_semaphore, #tpu.memory_space<semaphore_mem>>)
        %dma_wait3A = arith.constant 0 : i32
        %dma_wait3A_19 = arith.constant 0 : i32
        %dma_wait3A_20 = tpu.memref_slice %arg5[%arg0, %dma_wait3A, %dma_wait3A_19] : memref<2x10000x128xf32, #tpu.memory_space<hbm>> -> memref<1x10000x128xf32, #tpu.memory_space<hbm>>
        %dma_wait3A_21 = tpu.memref_squeeze %dma_wait3A_20 : memref<1x10000x128xf32, #tpu.memory_space<hbm>> -> memref<10000x128xf32, #tpu.memory_space<hbm>>
        tpu.wait_dma2 semaphore(%run_scoped3A : memref<!tpu.dma_semaphore, #tpu.memory_space<semaphore_mem>>) src(%arg6 : memref<10000x128xf32, #tpu.memory_space<vmem_shared>>) dst(%dma_wait3A_21 : memref<10000x128xf32, #tpu.memory_space<hbm>>)
        tpu.yield
      }) : () -> ()
    } else {
    }
    return
  }
}

module attributes {stable_mosaic.version = 14 : i64} {
  func.func @_k1_body(%arg0: i32, %arg1: memref<2000x128xf32, #tpu.memory_space<vmem>>, %arg2: memref<2000x16xf32, #tpu.memory_space<vmem>>, %arg3: memref<128x128xf32, #tpu.memory_space<vmem>>, %arg4: memref<16x128xf32, #tpu.memory_space<vmem>>, %arg5: memref<2000x128xf32, #tpu.memory_space<vmem>>) attributes {dimension_semantics = [#tpu.dimension_semantics<arbitrary>], iteration_bounds = array<i64: 160>, scalar_prefetch = 0 : i64, scratch_operands = 0 : i64, tpu.core_type = #tpu.core_type<tc>, window_params = [{transform_indices = @transform_0, window_bounds = array<i64: 2000, 128>}, {transform_indices = @transform_1, window_bounds = array<i64: 2000, 16>}, {pipeline_mode = #tpu.pipeline_mode<synchronous>, transform_indices = @transform_2, window_bounds = array<i64: 128, 128>}, {pipeline_mode = #tpu.pipeline_mode<synchronous>, transform_indices = @transform_3, window_bounds = array<i64: 16, 128>}, {transform_indices = @transform_4, window_bounds = array<i64: 2000, 128>}]} {
    %get3A = arith.constant 0 : index
    %get3A_0 = arith.constant 0 : index
    %get3A_1 = vector.load %arg1[%get3A, %get3A_0] : memref<2000x128xf32, #tpu.memory_space<vmem>>, vector<2000x128xf32>
    %get3A_2 = arith.constant 0 : index
    %get3A_3 = arith.constant 0 : index
    %get3A_4 = vector.load %arg3[%get3A_2, %get3A_3] : memref<128x128xf32, #tpu.memory_space<vmem>>, vector<128x128xf32>
    %dot_general3A = arith.constant dense<0.000000e+00> : vector<2000x128xf32>
    %dot_general3A_5 = tpu.matmul %get3A_1, %get3A_4, %dot_general3A {dimension_numbers = #tpu.dot_dimension_numbers<[1], [0], [0], [1], [0, 0, 1, 1], [], []>, transpose_lhs_hint = false} : vector<2000x128xf32>, vector<128x128xf32>, vector<2000x128xf32> -> vector<2000x128xf32>
    %get3A_6 = arith.constant 0 : index
    %get3A_7 = arith.constant 0 : index
    %get3A_8 = vector.load %arg2[%get3A_6, %get3A_7] : memref<2000x16xf32, #tpu.memory_space<vmem>>, vector<2000x16xf32>
    %get3A_9 = arith.constant 0 : index
    %get3A_10 = arith.constant 0 : index
    %get3A_11 = vector.load %arg4[%get3A_9, %get3A_10] : memref<16x128xf32, #tpu.memory_space<vmem>>, vector<16x128xf32>
    %dot_general3A_12 = arith.constant dense<0.000000e+00> : vector<2000x128xf32>
    %dot_general3A_13 = tpu.matmul %get3A_8, %get3A_11, %dot_general3A_12 {dimension_numbers = #tpu.dot_dimension_numbers<[1], [0], [0], [1], [0, 0, 1, 1], [], []>, transpose_lhs_hint = false} : vector<2000x16xf32>, vector<16x128xf32>, vector<2000x128xf32> -> vector<2000x128xf32>
    %add3A = arith.addf %dot_general3A_5, %dot_general3A_13 : vector<2000x128xf32>
    %max3A = arith.constant 0.000000e+00 : f32
    %max3A_14 = vector.broadcast %max3A : f32 to vector<2000x128xf32>
    %max3A_15 = arith.maximumf %add3A, %max3A_14 : vector<2000x128xf32>
    %swap3A = arith.constant 0 : index
    %swap3A_16 = arith.constant 0 : index
    %swap3A_17 = vector.load %arg5[%swap3A, %swap3A_16] : memref<2000x128xf32, #tpu.memory_space<vmem>>, vector<2000x128xf32>
    tpu.vector_store %arg5[%swap3A, %swap3A_16], %max3A_15 {strides = array<i32>} : memref<2000x128xf32, #tpu.memory_space<vmem>>, vector<2000x128xf32>,
    return
  }
  func.func @transform_0(%arg0: i32) -> (i32, i32) {
    %c0_i32 = arith.constant 0 : i32
    %c0_i32_0 = arith.constant 0 : i32
    return %arg0, %c0_i32 : i32, i32
  }
  func.func @transform_1(%arg0: i32) -> (i32, i32) {
    %c0_i32 = arith.constant 0 : i32
    %c0_i32_0 = arith.constant 0 : i32
    return %arg0, %c0_i32 : i32, i32
  }
  func.func @transform_2(%arg0: i32) -> (i32, i32) {
    %c0_i32 = arith.constant 0 : i32
    %c0_i32_0 = arith.constant 0 : i32
    %c0_i32_1 = arith.constant 0 : i32
    return %c0_i32, %c0_i32_0 : i32, i32
  }
  func.func @transform_3(%arg0: i32) -> (i32, i32) {
    %c0_i32 = arith.constant 0 : i32
    %c0_i32_0 = arith.constant 0 : i32
    %c0_i32_1 = arith.constant 0 : i32
    return %c0_i32, %c0_i32_0 : i32, i32
  }
  func.func @transform_4(%arg0: i32) -> (i32, i32) {
    %c0_i32 = arith.constant 0 : i32
    %c0_i32_0 = arith.constant 0 : i32
    return %arg0, %c0_i32 : i32, i32
  }
}

module attributes {stable_mosaic.version = 14 : i64} {
  func.func @_kadd_body(%arg0: i32, %arg1: memref<2x2000x128xf32, #tpu.memory_space<vmem>>, %arg2: memref<2000x128xf32, #tpu.memory_space<vmem>>) attributes {dimension_semantics = [#tpu.dimension_semantics<arbitrary>], iteration_bounds = array<i64: 5>, scalar_prefetch = 0 : i64, scratch_operands = 0 : i64, tpu.core_type = #tpu.core_type<tc>, window_params = [{transform_indices = @transform_0, window_bounds = array<i64: 2, 2000, 128>}, {transform_indices = @transform_1, window_bounds = array<i64: 2000, 128>}]} {
    %get3A = arith.constant 0 : index
    %get3A_0 = arith.constant 0 : index
    %get3A_1 = arith.constant 0 : index
    %get3A_2 = vector.load %arg1[%get3A, %get3A_0, %get3A_1] : memref<2x2000x128xf32, #tpu.memory_space<vmem>>, vector<1x2000x128xf32>
    %get3A_3 = vector.shape_cast %get3A_2 : vector<1x2000x128xf32> to vector<2000x128xf32>
    %get3A_4 = arith.constant 1 : index
    %get3A_5 = arith.constant 0 : index
    %get3A_6 = arith.constant 0 : index
    %get3A_7 = vector.load %arg1[%get3A_4, %get3A_5, %get3A_6] : memref<2x2000x128xf32, #tpu.memory_space<vmem>>, vector<1x2000x128xf32>
    %get3A_8 = vector.shape_cast %get3A_7 : vector<1x2000x128xf32> to vector<2000x128xf32>
    %add3A = arith.addf %get3A_3, %get3A_8 : vector<2000x128xf32>
    %swap3A = arith.constant 0 : index
    %swap3A_9 = arith.constant 0 : index
    %swap3A_10 = vector.load %arg2[%swap3A, %swap3A_9] : memref<2000x128xf32, #tpu.memory_space<vmem>>, vector<2000x128xf32>
    tpu.vector_store %arg2[%swap3A, %swap3A_9], %add3A {strides = array<i32>} : memref<2000x128xf32, #tpu.memory_space<vmem>>, vector<2000x128xf32>,
    return
  }
  func.func @transform_0(%arg0: i32) -> (i32, i32, i32) {
    %c0_i32 = arith.constant 0 : i32
    %c0_i32_0 = arith.constant 0 : i32
    %c0_i32_1 = arith.constant 0 : i32
    return %c0_i32, %arg0, %c0_i32_0 : i32, i32, i32
  }
  func.func @transform_1(%arg0: i32) -> (i32, i32) {
    %c0_i32 = arith.constant 0 : i32
    %c0_i32_0 = arith.constant 0 : i32
    return %arg0, %c0_i32 : i32, i32
  }
}

module attributes {stable_mosaic.version = 14 : i64} {
  func.func @_k3_body(%arg0: i32, %arg1: memref<2000x128xf32, #tpu.memory_space<vmem>>, %arg2: memref<2000x128xf32, #tpu.memory_space<vmem>>, %arg3: memref<2000x128xf32, #tpu.memory_space<vmem>>, %arg4: memref<128x128xf32, #tpu.memory_space<vmem>>, %arg5: memref<128x128xf32, #tpu.memory_space<vmem>>, %arg6: memref<128x128xf32, #tpu.memory_space<vmem>>, %arg7: memref<2000x128xf32, #tpu.memory_space<vmem>>) attributes {dimension_semantics = [#tpu.dimension_semantics<arbitrary>], iteration_bounds = array<i64: 160>, scalar_prefetch = 0 : i64, scratch_operands = 0 : i64, tpu.core_type = #tpu.core_type<tc>, window_params = [{transform_indices = @transform_0, window_bounds = array<i64: 2000, 128>}, {transform_indices = @transform_1, window_bounds = array<i64: 2000, 128>}, {transform_indices = @transform_2, window_bounds = array<i64: 2000, 128>}, {pipeline_mode = #tpu.pipeline_mode<synchronous>, transform_indices = @transform_3, window_bounds = array<i64: 128, 128>}, {pipeline_mode = #tpu.pipeline_mode<synchronous>, transform_indices = @transform_4, window_bounds = array<i64: 128, 128>}, {pipeline_mode = #tpu.pipeline_mode<synchronous>, transform_indices = @transform_5, window_bounds = array<i64: 128, 128>}, {transform_indices = @transform_6, window_bounds = array<i64: 2000, 128>}]} {
    %get3A = arith.constant 0 : index
    %get3A_0 = arith.constant 0 : index
    %get3A_1 = vector.load %arg2[%get3A, %get3A_0] : memref<2000x128xf32, #tpu.memory_space<vmem>>, vector<2000x128xf32>
    %get3A_2 = arith.constant 0 : index
    %get3A_3 = arith.constant 0 : index
    %get3A_4 = vector.load %arg3[%get3A_2, %get3A_3] : memref<2000x128xf32, #tpu.memory_space<vmem>>, vector<2000x128xf32>
    %sub3A = arith.subf %get3A_1, %get3A_4 : vector<2000x128xf32>
    %get3A_5 = arith.constant 0 : index
    %get3A_6 = arith.constant 0 : index
    %get3A_7 = vector.load %arg4[%get3A_5, %get3A_6] : memref<128x128xf32, #tpu.memory_space<vmem>>, vector<128x128xf32>
    %dot_general3A = arith.constant dense<0.000000e+00> : vector<2000x128xf32>
    %dot_general3A_8 = tpu.matmul %sub3A, %get3A_7, %dot_general3A {dimension_numbers = #tpu.dot_dimension_numbers<[1], [0], [0], [1], [0, 0, 1, 1], [], []>, transpose_lhs_hint = false} : vector<2000x128xf32>, vector<128x128xf32>, vector<2000x128xf32> -> vector<2000x128xf32>
    %get3A_9 = arith.constant 0 : index
    %get3A_10 = arith.constant 0 : index
    %get3A_11 = vector.load %arg1[%get3A_9, %get3A_10] : memref<2000x128xf32, #tpu.memory_space<vmem>>, vector<2000x128xf32>
    %get3A_12 = arith.constant 0 : index
    %get3A_13 = arith.constant 0 : index
    %get3A_14 = vector.load %arg5[%get3A_12, %get3A_13] : memref<128x128xf32, #tpu.memory_space<vmem>>, vector<128x128xf32>
    %dot_general3A_15 = arith.constant dense<0.000000e+00> : vector<2000x128xf32>
    %dot_general3A_16 = tpu.matmul %get3A_11, %get3A_14, %dot_general3A_15 {dimension_numbers = #tpu.dot_dimension_numbers<[1], [0], [0], [1], [0, 0, 1, 1], [], []>, transpose_lhs_hint = false} : vector<2000x128xf32>, vector<128x128xf32>, vector<2000x128xf32> -> vector<2000x128xf32>
    %get3A_17 = arith.constant 0 : index
    %get3A_18 = arith.constant 0 : index
    %get3A_19 = vector.load %arg6[%get3A_17, %get3A_18] : memref<128x128xf32, #tpu.memory_space<vmem>>, vector<128x128xf32>
    %dot_general3A_20 = arith.constant dense<0.000000e+00> : vector<2000x128xf32>
    %dot_general3A_21 = tpu.matmul %dot_general3A_8, %get3A_19, %dot_general3A_20 {dimension_numbers = #tpu.dot_dimension_numbers<[1], [0], [0], [1], [0, 0, 1, 1], [], []>, transpose_lhs_hint = false} : vector<2000x128xf32>, vector<128x128xf32>, vector<2000x128xf32> -> vector<2000x128xf32>
    %add3A = arith.addf %dot_general3A_16, %dot_general3A_21 : vector<2000x128xf32>
    %get3A_22 = arith.constant 0 : index
    %get3A_23 = arith.constant 0 : index
    %get3A_24 = vector.load %arg1[%get3A_22, %get3A_23] : memref<2000x128xf32, #tpu.memory_space<vmem>>, vector<2000x128xf32>
    %max3A = arith.constant 0.000000e+00 : f32
    %max3A_25 = vector.broadcast %max3A : f32 to vector<2000x128xf32>
    %max3A_26 = arith.maximumf %add3A, %max3A_25 : vector<2000x128xf32>
    %add3A_27 = arith.addf %get3A_24, %max3A_26 : vector<2000x128xf32>
    %swap3A = arith.constant 0 : index
    %swap3A_28 = arith.constant 0 : index
    %swap3A_29 = vector.load %arg7[%swap3A, %swap3A_28] : memref<2000x128xf32, #tpu.memory_space<vmem>>, vector<2000x128xf32>
    tpu.vector_store %arg7[%swap3A, %swap3A_28], %add3A_27 {strides = array<i32>} : memref<2000x128xf32, #tpu.memory_space<vmem>>, vector<2000x128xf32>,
    return
  }
  func.func @transform_0(%arg0: i32) -> (i32, i32) {
    %c0_i32 = arith.constant 0 : i32
    %c0_i32_0 = arith.constant 0 : i32
    return %arg0, %c0_i32 : i32, i32
  }
  func.func @transform_1(%arg0: i32) -> (i32, i32) {
    %c0_i32 = arith.constant 0 : i32
    %c0_i32_0 = arith.constant 0 : i32
    return %arg0, %c0_i32 : i32, i32
  }
  func.func @transform_2(%arg0: i32) -> (i32, i32) {
    %c0_i32 = arith.constant 0 : i32
    %c0_i32_0 = arith.constant 0 : i32
    return %arg0, %c0_i32 : i32, i32
  }
  func.func @transform_3(%arg0: i32) -> (i32, i32) {
    %c0_i32 = arith.constant 0 : i32
    %c0_i32_0 = arith.constant 0 : i32
    %c0_i32_1 = arith.constant 0 : i32
    return %c0_i32, %c0_i32_0 : i32, i32
  }
  func.func @transform_4(%arg0: i32) -> (i32, i32) {
    %c0_i32 = arith.constant 0 : i32
    %c0_i32_0 = arith.constant 0 : i32
    %c0_i32_1 = arith.constant 0 : i32
    return %c0_i32, %c0_i32_0 : i32, i32
  }
  func.func @transform_5(%arg0: i32) -> (i32, i32) {
    %c0_i32 = arith.constant 0 : i32
    %c0_i32_0 = arith.constant 0 : i32
    %c0_i32_1 = arith.constant 0 : i32
    return %c0_i32, %c0_i32_0 : i32, i32
  }
  func.func @transform_6(%arg0: i32) -> (i32, i32) {
    %c0_i32 = arith.constant 0 : i32
    %c0_i32_0 = arith.constant 0 : i32
    return %arg0, %c0_i32 : i32, i32
  }
}

module attributes {stable_mosaic.version = 14 : i64} {
  func.func @_k4_body(%arg0: i32, %arg1: memref<2000x128xf32, #tpu.memory_space<vmem>>, %arg2: memref<2x2000x128xf32, #tpu.memory_space<vmem>>, %arg3: memref<128x128xf32, #tpu.memory_space<vmem>>, %arg4: memref<128x128xf32, #tpu.memory_space<vmem>>, %arg5: memref<2000x128xf32, #tpu.memory_space<vmem>>) attributes {dimension_semantics = [#tpu.dimension_semantics<arbitrary>], iteration_bounds = array<i64: 5>, scalar_prefetch = 0 : i64, scratch_operands = 0 : i64, tpu.core_type = #tpu.core_type<tc>, window_params = [{transform_indices = @transform_0, window_bounds = array<i64: 2000, 128>}, {transform_indices = @transform_1, window_bounds = array<i64: 2, 2000, 128>}, {pipeline_mode = #tpu.pipeline_mode<synchronous>, transform_indices = @transform_2, window_bounds = array<i64: 128, 128>}, {pipeline_mode = #tpu.pipeline_mode<synchronous>, transform_indices = @transform_3, window_bounds = array<i64: 128, 128>}, {transform_indices = @transform_4, window_bounds = array<i64: 2000, 128>}]} {
    %get3A = arith.constant 0 : index
    %get3A_0 = arith.constant 0 : index
    %get3A_1 = arith.constant 0 : index
    %get3A_2 = vector.load %arg2[%get3A, %get3A_0, %get3A_1] : memref<2x2000x128xf32, #tpu.memory_space<vmem>>, vector<1x2000x128xf32>
    %get3A_3 = vector.shape_cast %get3A_2 : vector<1x2000x128xf32> to vector<2000x128xf32>
    %get3A_4 = arith.constant 1 : index
    %get3A_5 = arith.constant 0 : index
    %get3A_6 = arith.constant 0 : index
    %get3A_7 = vector.load %arg2[%get3A_4, %get3A_5, %get3A_6] : memref<2x2000x128xf32, #tpu.memory_space<vmem>>, vector<1x2000x128xf32>
    %get3A_8 = vector.shape_cast %get3A_7 : vector<1x2000x128xf32> to vector<2000x128xf32>
    %add3A = arith.addf %get3A_3, %get3A_8 : vector<2000x128xf32>
    %get3A_9 = arith.constant 0 : index
    %get3A_10 = arith.constant 0 : index
    %get3A_11 = vector.load %arg1[%get3A_9, %get3A_10] : memref<2000x128xf32, #tpu.memory_space<vmem>>, vector<2000x128xf32>
    %get3A_12 = arith.constant 0 : index
    %get3A_13 = arith.constant 0 : index
    %get3A_14 = vector.load %arg3[%get3A_12, %get3A_13] : memref<128x128xf32, #tpu.memory_space<vmem>>, vector<128x128xf32>
    %dot_general3A = arith.constant dense<0.000000e+00> : vector<2000x128xf32>
    %dot_general3A_15 = tpu.matmul %get3A_11, %get3A_14, %dot_general3A {dimension_numbers = #tpu.dot_dimension_numbers<[1], [0], [0], [1], [0, 0, 1, 1], [], []>, transpose_lhs_hint = false} : vector<2000x128xf32>, vector<128x128xf32>, vector<2000x128xf32> -> vector<2000x128xf32>
    %get3A_16 = arith.constant 0 : index
    %get3A_17 = arith.constant 0 : index
    %get3A_18 = vector.load %arg4[%get3A_16, %get3A_17] : memref<128x128xf32, #tpu.memory_space<vmem>>, vector<128x128xf32>
    %dot_general3A_19 = arith.constant dense<0.000000e+00> : vector<2000x128xf32>
    %dot_general3A_20 = tpu.matmul %add3A, %get3A_18, %dot_general3A_19 {dimension_numbers = #tpu.dot_dimension_numbers<[1], [0], [0], [1], [0, 0, 1, 1], [], []>, transpose_lhs_hint = false} : vector<2000x128xf32>, vector<128x128xf32>, vector<2000x128xf32> -> vector<2000x128xf32>
    %add3A_21 = arith.addf %dot_general3A_15, %dot_general3A_20 : vector<2000x128xf32>
    %max3A = arith.constant 0.000000e+00 : f32
    %max3A_22 = vector.broadcast %max3A : f32 to vector<2000x128xf32>
    %max3A_23 = arith.maximumf %add3A_21, %max3A_22 : vector<2000x128xf32>
    %swap3A = arith.constant 0 : index
    %swap3A_24 = arith.constant 0 : index
    %swap3A_25 = vector.load %arg5[%swap3A, %swap3A_24] : memref<2000x128xf32, #tpu.memory_space<vmem>>, vector<2000x128xf32>
    tpu.vector_store %arg5[%swap3A, %swap3A_24], %max3A_23 {strides = array<i32>} : memref<2000x128xf32, #tpu.memory_space<vmem>>, vector<2000x128xf32>,
    return
  }
  func.func @transform_0(%arg0: i32) -> (i32, i32) {
    %c0_i32 = arith.constant 0 : i32
    %c0_i32_0 = arith.constant 0 : i32
    return %arg0, %c0_i32 : i32, i32
  }
  func.func @transform_1(%arg0: i32) -> (i32, i32, i32) {
    %c0_i32 = arith.constant 0 : i32
    %c0_i32_0 = arith.constant 0 : i32
    %c0_i32_1 = arith.constant 0 : i32
    return %c0_i32, %arg0, %c0_i32_0 : i32, i32, i32
  }
  func.func @transform_2(%arg0: i32) -> (i32, i32) {
    %c0_i32 = arith.constant 0 : i32
    %c0_i32_0 = arith.constant 0 : i32
    %c0_i32_1 = arith.constant 0 : i32
    return %c0_i32, %c0_i32_0 : i32, i32
  }
  func.func @transform_3(%arg0: i32) -> (i32, i32) {
    %c0_i32 = arith.constant 0 : i32
    %c0_i32_0 = arith.constant 0 : i32
    %c0_i32_1 = arith.constant 0 : i32
    return %c0_i32, %c0_i32_0 : i32, i32
  }
  func.func @transform_4(%arg0: i32) -> (i32, i32) {
    %c0_i32 = arith.constant 0 : i32
    %c0_i32_0 = arith.constant 0 : i32
    return %arg0, %c0_i32 : i32, i32
  }
}

</mosaic_0001>

<sc_bundles>
// kernel: kernel.14.cloned.1.call-start
scs
__scs_entry_jumppad:
0x0: {  	(pc) =	sbr.rel $0x88, $3  }
0x1: {  	(tag) =	ssettag $0x0;
	lr =	simm.s32 $0x1  }
0x2: {  	[smem:$0x3F99] =	sst lr;
	_ =	strace $0xD0000000  }
0x3: {  	_ = 	snop  }
0x4: {  	_ = 	snop  }
0x5: {  	_ = 	snop  }
0x6: {  	_ = 	snop  }
0x7: {  	_ = 	snop  }
__scs_overlays_trampoline_lowered:
0x8: {  	[smem:$0x3FA8] =	sst s0  }
0x9: {  	[smem:$0x3FA9] =	sst s1  }
0xa: {  	[smem:$0x3FAA] =	sst s2  }
0xb: {  	[smem:$0x3FAB] =	sst s3  }
0xc: {  	[smem:$0x3FAC] =	sst s4  }
0xd: {  	[smem:$0x3FAD] =	sst s5  }
0xe: {  	[smem:$0x3FAE] =	sst s6  }
0xf: {  	[smem:$0x3FAF] =	sst s7  }
0x10: {  	[smem:$0x3FB0] =	sst s8  }
0x11: {  	[smem:$0x3FB1] =	sst s9;
	s0 =	simm.s32 @!p0 $0x0  }
0x12: {  	s1 =	sld [smem:$0x3F97];
	s0 =	simm.s32 @p0 $0x1  }
0x13: {  	[smem:$0x3FB2] =	sst s0;
	s0 =	simm.s32 @!p1 $0x0  }
0x14: {  	s2 =	sld [smem:$0x3F96];
	s0 =	simm.s32 @p1 $0x1  }
0x15: {  	[smem:$0x3FB3] =	sst s0;
	s0 =	simm.s32 @!p2 $0x0  }
0x16: {  	s3 =	sld [smem:$0x3FDB];
	s0 =	simm.s32 @p2 $0x1  }
0x17: {  	s4 =	simm.s32 $0x1BF5;
	[smem:$0x3FB5] =	sst s0  }
0x18: {  	s0 =	sld [smem:$0x3F98];
	_ =	swait.ge [sflag:s4], $0x0  }
0x19: {  	s7 =	sld [smem:$0x3F99]  }
0x1a: {  	s8 =	sadd.s32 $0xFFFFE003, lr  }
0x1b: {  	s9 =	sadd.s32 $0xFFFFFEF7, lr;
	s5 =	simm.s32 $0xFFFFFFFF;
	p2 =	slt.u32 s8, $0xFFFFF086  }
0x1c: {  	p1 =	slt.u32 s9, $0xF7A;
	s5 =	simm.s32 @!p2 $0x0  }
0x1d: {  	s5 =	simm.s32 @p1 $0x1;
	p0 =	seq.s32 s7, s2  }
0x1e: {  	s7 =	smul.u32 @!p0 $0xF7A, s2;
	p2 =	seq.s32 @!p0 s5, $0x0  }
0x1f: {  	s9 =	smul.u32 $0xF7A, s1;
	s8 =	simm.s32 @!p0 $0x1BF5;
	p2 =	por !p2, p0  }
0x20: {  	[sflag:s8] =	ssyncset.s32 @!p0 $0xFFFFF086;
	s6 =	sadd.s32 @!p0 s3, s7;
	s7 =	simm.s32 @!p0 $0x108  }
0x21: {  	s3 =	sadd.s32 s3, s9;
	s6 =	sadd.s32 @!p0 $0x88, s6;
	s7 =	simm.s32 @p2 $0x1082  }
0x22: {  	[simem:s7], [sflag:s8] =	dma.local @!p0 [hbm:s6], $0xF7A  }
0x23: {  	s9 =	sor.u32 $0xD0000000, s2;
	s6 =	simm.s32 $0x108;
	_ =	swait.ge @!p0 [sflag:s8], $0x0  }
0x24: {  	s3 =	sadd.s32 $0x88, s3;
	s6 =	simm.s32 @!p1 $0x1082;
	[sflag:s4] =	ssyncset.s32 $0xFFFFF086  }
0x25: {  	[simem:s6], [sflag:s4] =	dma.local [hbm:s3], $0xF7A  }
0x26: {  	[smem:$0x3F99] =	sst s1;
	(tag) =	ssettag s2;
	_ =	strace s9  }
0x27: {  	s1 =	sld [smem:$0x3FA9]  }
0x28: {  	s2 =	sld [smem:$0x3FAA]  }
0x29: {  	s4 =	sld [smem:$0x3FAC]  }
0x2a: {  	p0 =	seq.s32 s5, $0x0;
	s5 =	sld [smem:$0x3FAD]  }
0x2b: {  	s6 =	sld [smem:$0x3FAE]  }
0x2c: {  	s7 =	sld [smem:$0x3FAF]  }
0x2d: {  	s3 =	simm.s32 $0x108;
	s8 =	sld [smem:$0x3FB0]  }
0x2e: {  	s3 =	simm.s32 @!p0 $0x1082;
	s9 =	sld [smem:$0x3FB1]  }
0x2f: {  	lr =	sadd.s32 s0, s3;
	s0 =	sld [smem:$0x3FA8]  }
0x30: {  	s3 =	sld [smem:$0x3FAB]  }
0x31: {  	[smem:$0x3FB4] =	sst s10  }
0x32: {  	s10 =	sld [smem:$0x3FB2];
	_ =	sdelay $0x3  }
0x33: {  	p0 =	seq.s32 s10, $0x1;
	s10 =	sld [smem:$0x3FB4];
	_ =	sdelay $0x3  }
0x34: {  	[smem:$0x3FB4] =	sst s10  }
0x35: {  	s10 =	sld [smem:$0x3FB3];
	_ =	sdelay $0x3  }
0x36: {  	p1 =	seq.s32 s10, $0x1;
	s10 =	sld [smem:$0x3FB4];
	_ =	sdelay $0x3  }
0x37: {  	[smem:$0x3FB4] =	sst s10  }
0x38: {  	s10 =	sld [smem:$0x3FB5]  }
0x39: {  	_ = 	snop;
	(pc) =	sbr.ind lr, $3  }
0x3a: {  	_ = 	snop  }
0x3b: {  	_ = 	snop  }
0x3c: {  	p2 =	seq.s32 s10, $0x1;
	s10 =	sld [smem:$0x3FB4]  }
0x3d: {  	_ =	shalt  }
0x3e: {  	_ =	shalt  }
0x3f: {  	_ =	shalt  }
0x40: {  	_ =	shalt  }
0x41: {  	_ =	shalt  }
0x42: {  	_ =	shalt  }
0x43: {  	_ =	shalt  }
0x44: {  	_ =	shalt  }
0x45: {  	_ =	shalt  }
0x46: {  	_ =	shalt  }
0x47: {  	_ =	shalt  }
0x48: {  	_ =	shalt  }
0x49: {  	_ =	shalt  }
0x4a: {  	_ =	shalt  }
0x4b: {  	_ =	shalt  }
0x4c: {  	_ =	shalt  }
0x4d: {  	_ =	shalt  }
0x4e: {  	_ =	shalt  }
0x4f: {  	_ =	shalt  }
0x50: {  	_ =	shalt  }
0x51: {  	_ =	shalt  }
0x52: {  	_ =	shalt  }
0x53: {  	_ =	shalt  }
0x54: {  	_ =	shalt  }
0x55: {  	_ =	shalt  }
0x56: {  	_ =	shalt  }
0x57: {  	_ =	shalt  }
0x58: {  	_ =	shalt  }
0x59: {  	_ =	shalt  }
0x5a: {  	_ =	shalt  }
0x5b: {  	_ =	shalt  }
0x5c: {  	_ =	shalt  }
0x5d: {  	_ =	shalt  }
0x5e: {  	_ =	shalt  }
0x5f: {  	_ =	shalt  }
0x60: {  	_ =	shalt  }
0x61: {  	_ =	shalt  }
0x62: {  	_ =	shalt  }
0x63: {  	_ =	shalt  }
0x64: {  	_ =	shalt  }
0x65: {  	_ =	shalt  }
0x66: {  	_ =	shalt  }
0x67: {  	_ =	shalt  }
0x68: {  	_ =	shalt  }
0x69: {  	_ =	shalt  }
0x6a: {  	_ =	shalt  }
0x6b: {  	_ =	shalt  }
0x6c: {  	_ =	shalt  }
0x6d: {  	_ =	shalt  }
0x6e: {  	_ =	shalt  }
0x6f: {  	_ =	shalt  }
0x70: {  	_ =	shalt  }
0x71: {  	_ =	shalt  }
0x72: {  	_ =	shalt  }
0x73: {  	_ =	shalt  }
0x74: {  	_ =	shalt  }
0x75: {  	_ =	shalt  }
0x76: {  	_ =	shalt  }
0x77: {  	_ =	shalt  }
0x78: {  	_ =	shalt  }
0x79: {  	_ =	shalt  }
0x7a: {  	_ =	shalt  }
0x7b: {  	_ =	shalt  }
0x7c: {  	_ =	shalt  }
0x7d: {  	_ =	shalt  }
0x7e: {  	_ =	shalt  }
0x7f: {  	_ =	shalt  }
0x80: {  	_ =	shalt  }
0x81: {  	_ =	shalt  }
0x82: {  	_ =	shalt  }
0x83: {  	_ =	shalt  }
0x84: {  	_ =	shalt  }
0x85: {  	_ =	shalt  }
0x86: {  	_ =	shalt  }
0x87: {  	_ =	shalt  }
.Lfunc_end0:
.L_simem_size_0:
called_computation_lowered:
.L_overlay_start_0:
0x88: {  	s2 =	sld [smem:$0x3FD9]  }
0x89: {  	s3 =	sld [smem:$0x3FFE];
	_ =	sdelay $0x1  }
0x8a: {  	s1 =	srdreg.scid  }
0x8b: {  	s0 =	sand.u32 $0x1, s1  }
0x8c: {  	s17 =	sshll.u32 s0, $0xA;
	s2 =	sadd.s32 s3, s2  }
0x8d: {  	s2 =	sadd.s32 s2, s17  }
0x8e: {  	[smem:$0x3FC0] =	sst s2  }
0x8f: {  	_ = 	snop  }
0x90: {  	s2 =	sld [smem:$0x3FC9];
	(tm) =	ssettm $0x1  }
0x91: {  	s18 =	sld [smem:$0x3FFB];
	_ =	sdelay $0x3  }
0x92: {  	_ =	strace s18  }
0x93: {  	s3 =	sld [smem:$0x3FFC];
	_ =	sdelay $0x3  }
0x94: {  	_ =	strace s3  }
0x95: {  	s3 =	sld [smem:$0x3FFD];
	_ =	sdelay $0x3  }
0x96: {  	_ =	strace s3  }
0x97: {  	_ =	strace $0x8FFFFFFF  }
0x98: {  	s19 =	sld [smem:$0x3FDB];
	_ =	sdelay $0x1  }
0x99: {  	s4 =	simm.s32 $_scs_section_size  }
0x9a: {  	s5 =	simm.s32 $_size__tile_overlayer_lowered;
	s6 =	simm.s32 $_tile_overlayer_lowered  }
0x9b: {  	s22 =	simm.s32 $0x1BFF;
	s21 =	sshll.u32 s6, $0x1;
	s3 =	sadd.s32 s4, s19  }
0x9c: {  	s7 =	simm.s32 $0x0;
	s20 =	sshll.u32 s5, $0x1;
	s5 =	sadd.s32 s21, s3  }
0x9d: {  	[timem:s7], [sflag:s22] =	dma.local [hbm:s5], s20  }
0x9e: {  	_ =	swait.ge [sflag:s22], s20  }
0x9f: {  	s4 =	ssub.s32 $0x0, s20;
	[sflag:s22] =	ssyncset.done $0x0  }
0xa0: {  	[sflag:s22] =	ssyncadd.s32 s4;
	_ =	sdelay $0x1  }
0xa1: {  	s23 =	simm.s32 $0x1B8B  }
0xa2: {  	_ =	swait.ge [sflag:s23], $0x1  }
0xa3: {  	[sflag:s23] =	ssyncset.done $0x0  }
0xa4: {  	s25 =	simm.s32 $0x1B8E;
	s24 =	sld [smem:$0x3FFE];
	[sflag:s23] =	ssyncadd.s32 $0xFFFFFFFF  }
0xa5: {  	s26 =	simm.s32 $execute0_lowered;
	[smem:$0x3FD2] =	sst s25  }
0xa6: {  	s5 =	sshll.u32 s26, $0x1;
	_ =	strace $0x80000046;
	[dreg:$0x1] =	wrdreg $0xFFFFFFFF  }
0xa7: {  	s28 =	simm.s32 $_size_execute0_lowered;
	s3 =	sadd.s32 s3, s5;
	[dreg:$0x0] =	wrdreg $0x0  }
0xa8: {  	s5 =	sshll.u32 s28, $0x1;
	[dreg:$0x2] =	wrdreg s3  }
0xa9: {  	[dreg:$0x3] =	wrdreg s5  }
0xaa: {  	[dreg:$0x4] =	wrdreg $0xC0  }
0xab: {  	_ =	task [dreg:s7], $0x5FFFF  }
0xac: {  	[dreg:$0x1] =	wrdreg $0xFFFFFFFF  }
0xad: {  	[dreg:$0x0] =	wrdreg $0x60  }
0xae: {  	[dreg:$0x2] =	wrdreg s2  }
0xaf: {  	[dreg:$0x3] =	wrdreg s24  }
0xb0: {  	[dreg:$0x4] =	wrdreg $0x0  }
0xb1: {  	[dreg:$0x5] =	wrdreg $0x9  }
0xb2: {  	_ =	task.clear_ibuf [dreg:s7], $0x6FFFF;
	_ =	strace $0x90000046  }
0xb3: {  	s29 =	simm.s32 $0x9;
	_ =	strace $0x80000048  }
0xb4: {  	_ =	swait.ge [sflag:s29], $0x1  }
0xb5: {  	[sflag:s29] =	ssyncadd.s32 $0xFFFFFFFF  }
0xb6: {  	_ =	strace $0x90000048  }
0xb7: {  	_ =	sfence  }
0xb8: {  	s30 =	sld [smem:$0x0];
	_ =	sdelay $0x2  }
0xb9: {  	s31 =	sshll.u32 s1, $0xD;
	s1 =	sshrl.u32 s1, $0x2  }
0xba: {  	s3 =	sand.u32 $0x4000, s31;
	s1 =	sadd.s32 s1, s30  }
0xbb: {  	s0 =	sor.u32 s3, s0;
	s1 =	sshll.u32 s1, $0x11  }
0xbc: {  	s0 =	sor.u32 s1, s0  }
0xbd: {  	s0 =	sadd.s32 $0x8F2B, s0  }
0xbe: {  	[sflag:s0] =	ssyncadd.remote.s32 $0x1  }
0xbf: {  	_ =	sfence.sel $0xFFFF  }
0xc0: {  	[dreg:$0x0] =	wrdreg $0xFFFFFFFF;
	(pc) =	sbr.abs _section_cstart, $3  }
0xc1: {  	[dreg:$0x1] =	wrdreg $0xFFFFFFFF  }
0xc2: {  	_ =	task.clear_ibuf [dreg:s7], $0x2FFFF;
	_ =	strace $0x9FFFFFFF  }
0xc3: {  	(tm) =	ssettm $0x7FFFFFFF  }
tec
execute0_lowered:
.L_overlay_start_1:
0x0: {  	(tag) =	ssettag $0x1  }
0x1: {  	s1 =	rddreg [dreg:$0x0]  }
0x2: {  	s4 =	rddreg [dreg:$0x1]  }
0x3: {  	s2 =	rddreg [dreg:$0x2]  }
0x4: {  	s0 =	rddreg [dreg:$0x3];
	s3 =	simm.s32 $0x0  }
0x5: {  	s5 =	srdreg.scid;
	s6 =	stileid.u32;
	s11 =	simm.s32 $0x17880  }
0x6: {  	s12 =	simm.s32 $0x1;
	s13 =	simm.s32 $0x0;
	[smem:$0x7FF] =	sst s3  }
0x7: {  	s5 =	sand.u32 $0x1, s5;
	s7 =	sshll.u32 s6, $0xC;
	s9 =	smul.u32 $0x4E200, s6  }
0x8: {  	p0 =	sne.s32 s6, $0x0;
	_ =	strace $0x80000047;
	s8 =	sshll.u32 s5, $0xB  }
0x9: {  	s10 =	ssub.s32 $0x2, s5;
	s5 =	smul.u32 $0x27100, s5;
	s7 =	sor.u32 s8, s7  }
0xa: {  	s30 =	sshrl.u32 s10, $0x1;
	s9 =	sadd.s32 s9, s4;
	s7 =	sadd.s32 s7, s4  }
0xb: {  	s8 =	ssub.s32 s10, s30;
	s31 =	sadd.s32 s5, s9;
	s9 =	simm.s32 $0x2  }
0xc: {  	s10 =	simm.s32 $0x50;
	s4 =	sadd.s32 $0x3E00, s7;
	s5 =	smax.u32 s8, $0x1  }
0xd: {  	s6 =	sadd.s32 $0x13E00, s31;
	s7 =	sshrl.u32 @!p0 s2, $0x3;
	s8 =	simm.s32 $0x13880  }
.LBB2_1:
0xe: {  	s14 =	simm.s32 @!p0 $0x1C02  }
0xf: {  	[spmem:s7], [sflag:s14] =	dma.local @!p0 [hbm:s1], $0x27100  }
0x10: {  	s14 =	simm.s32 @!p0 $0x2  }
0x11: {  	_ =	swait.ge @!p0 [sflag:s14], $0x27100  }
0x12: {  	[sflag:s14] =	ssyncset.done @!p0 $0x0  }
0x13: {  	[sflag:s14] =	ssyncadd.s32 @!p0 $0xFFFD8F00  }
0x14: {  	[bflag:$0x0] =	sbarrier.arrive $0xFFFF  }
0x15: {  	[tilespmem:s8], [sflag:$0x2] =	stream.linear.gather [hbm4b:s4+s3], $0x3E80, $0x38;
	[tilespmem:$0x1A080] =	vst v63  }
0x16: {  	_ =	swait.ge [sflag:s9], $0x3E80  }
0x17: {  	[sflag:s9] =	ssyncset.done $0x0  }
0x18: {  	s31 =	simm.s32 $0x13880;
	[sflag:s9] =	ssyncadd.s32 $0xFFFFC180  }
0x19: {  	[tilespmem:s11], [sflag:$0x1] =	stream.indirect.gather [spmem:s2], $0x80, s31, s10, $0xb8;
	[tilespmem:$0x1A080] =	vst v63  }
0x1a: {  	_ =	swait.ge [sflag:s12], $0x2800  }
0x1b: {  	[sflag:s12] =	ssyncset.done $0x0  }
0x1c: {  	[sflag:s12] =	ssyncadd.s32 $0xFFFFD800  }
0x1d: {  	[hbm4b:s6+s3] =	stream.linear.scatter [tilespmem:s11], [sflag:$0x2], $0x2800, $0x38;
	[tilespmem:$0x1A080] =	vst v63  }
0x1e: {  	s15 =	simm.s32 $0x400;
	_ =	swait.ge [sflag:s9], $0x2800  }
0x1f: {  	s16 =	simm.s32 $0x80;
	s14 =	sadd.s32 $0x500, s6;
	[sflag:s9] =	ssyncset.done $0x0  }
.LBB2_2:
0x20: {  	s16 =	sadd.s32 $0x13880, s16  }
0x21: {  	[sflag:s9] =	ssyncadd.s32 $0xFFFFD800;
	s17 =	smov.u32 s15;
	s18 =	sadd.s32 $0x200, s15  }
0x22: {  	[tilespmem:s11], [sflag:$0x1] =	stream.indirect.gather [spmem:s2], $0x80, s16, s10, $0xb8;
	[tilespmem:$0x1A080] =	vst v63  }
0x23: {  	p1 =	sne.s32 s15, $0xF800;
	_ =	swait.ge [sflag:s12], $0x2800  }
.Ltmp0:
0x24: {  	[sflag:s12] =	ssyncset.done $0x0;
	(pc) =	sbr.rel @p1 .LBB2_2-.Ltmp0, $4  }
0x25: {  	[sflag:s12] =	ssyncadd.s32 $0xFFFFD800  }
0x26: {  	[hbm4b:s14+s3] =	stream.linear.scatter [tilespmem:s11], [sflag:$0x2], $0x2800, $0x38;
	[tilespmem:$0x1A080] =	vst v63  }
0x27: {  	s16 =	sshra.s32 s17, $0x2;
	_ =	swait.ge [sflag:s9], $0x2800  }
0x28: {  	s15 =	smov.u32 s18;
	s14 =	sadd.s32 $0x500, s14;
	[sflag:s9] =	ssyncset.done $0x0  }
0x29: {  	s15 =	sadd.s32 $0x13880, s16;
	[sflag:s9] =	ssyncadd.s32 $0xFFFFD800  }
0x2a: {  	[tilespmem:s11], [sflag:$0x1] =	stream.indirect.gather [spmem:s2], $0x80, s15, s10, $0xb8;
	[tilespmem:$0x1A080] =	vst v63  }
0x2b: {  	s13 =	sadd.s32 $0x1, s13;
	_ =	swait.ge [sflag:s12], $0x2800  }
0x2c: {  	p1 =	sne.s32 s13, s5;
	[sflag:s12] =	ssyncset.done $0x0  }
.Ltmp1:
0x2d: {  	[sflag:s12] =	ssyncadd.s32 $0xFFFFD800;
	(pc) =	sbr.rel @p1 .LBB2_1-.Ltmp1, $4  }
0x2e: {  	[hbm4b:s14+s3] =	stream.linear.scatter [tilespmem:s11], [sflag:$0x2], $0x2800, $0x38;
	[tilespmem:$0x1A080] =	vst v63  }
0x2f: {  	_ =	swait.ge [sflag:s9], $0x2800  }
0x30: {  	[sflag:s9] =	ssyncset.done $0x0  }
0x31: {  	[sflag:s9] =	ssyncadd.s32 $0xFFFFD800  }
0x32: {  	_ =	sfence.sel $0x180000  }
0x33: {  	[bflag:$0x0] =	sbarrier.arrive $0xFFFF  }
0x34: {  	_ =	strace $0x90000047  }
0x35: {  	s0 =	sadd.s32 @!p0 $0x100000, s0;
	[bflag:$0x2] =	sbarrier.arrive $0xFFFF  }
0x36: {  	[sflag:s0] =	ssyncadd.tile.s32 @!p0 $0x1;
	_ =	shalt  }
.Lfunc_end2:
_tile_overlayer_lowered:
.L_overlay_start_2:
0x37: {  	(tag) =	ssettag $0x2  }
0x38: {  	s0 =	rddreg [dreg:$0x0];
	s2 =	stileid.u32  }
0x39: {  	s1 =	rddreg [dreg:$0x1];
	p0 =	sne.s32 s2, $0x0  }
0x3a: {  	s3 =	rddreg [dreg:$0x2];
	[bflag:$0x3] =	sbarrier.arrive $0xFFFF;
	s2 =	simm.s32 @!p0 $0x1C02  }
0x3b: {  	[timem:s3], [sflag:s2] =	dma.local @!p0 [hbm:s0], s1  }
0x3c: {  	s0 =	simm.s32 @!p0 $0x2  }
0x3d: {  	_ =	swait.ge @!p0 [sflag:s0], s1  }
0x3e: {  	s1 =	ssub.s32 @!p0 $0x0, s1;
	[sflag:s0] =	ssyncset.done @!p0 $0x0  }
0x3f: {  	[sflag:s0] =	ssyncadd.s32 @!p0 s1  }
0x40: {  	[bflag:$0x3] =	sbarrier.arrive $0xFFFF  }
0x41: {  	_ =	shalt  }

// kernel: kernel.17.cloned.1.call-start
scs
__scs_entry_jumppad:
0x0: {  	(pc) =	sbr.rel $0x88, $3  }
0x1: {  	(tag) =	ssettag $0x0;
	lr =	simm.s32 $0x1  }
0x2: {  	[smem:$0x3F99] =	sst lr;
	_ =	strace $0xD0000000  }
0x3: {  	_ = 	snop  }
0x4: {  	_ = 	snop  }
0x5: {  	_ = 	snop  }
0x6: {  	_ = 	snop  }
0x7: {  	_ = 	snop  }
__scs_overlays_trampoline_lowered:
0x8: {  	[smem:$0x3FA8] =	sst s0  }
0x9: {  	[smem:$0x3FA9] =	sst s1  }
0xa: {  	[smem:$0x3FAA] =	sst s2  }
0xb: {  	[smem:$0x3FAB] =	sst s3  }
0xc: {  	[smem:$0x3FAC] =	sst s4  }
0xd: {  	[smem:$0x3FAD] =	sst s5  }
0xe: {  	[smem:$0x3FAE] =	sst s6  }
0xf: {  	[smem:$0x3FAF] =	sst s7  }
0x10: {  	[smem:$0x3FB0] =	sst s8  }
0x11: {  	[smem:$0x3FB1] =	sst s9;
	s0 =	simm.s32 @!p0 $0x0  }
0x12: {  	s1 =	sld [smem:$0x3F97];
	s0 =	simm.s32 @p0 $0x1  }
0x13: {  	[smem:$0x3FB2] =	sst s0;
	s0 =	simm.s32 @!p1 $0x0  }
0x14: {  	s2 =	sld [smem:$0x3F96];
	s0 =	simm.s32 @p1 $0x1  }
0x15: {  	[smem:$0x3FB3] =	sst s0;
	s0 =	simm.s32 @!p2 $0x0  }
0x16: {  	s3 =	sld [smem:$0x3FDB];
	s0 =	simm.s32 @p2 $0x1  }
0x17: {  	s4 =	simm.s32 $0x1BF5;
	[smem:$0x3FB5] =	sst s0  }
0x18: {  	s0 =	sld [smem:$0x3F98];
	_ =	swait.ge [sflag:s4], $0x0  }
0x19: {  	s7 =	sld [smem:$0x3F99]  }
0x1a: {  	s8 =	sadd.s32 $0xFFFFE003, lr  }
0x1b: {  	s9 =	sadd.s32 $0xFFFFFEF7, lr;
	s5 =	simm.s32 $0xFFFFFFFF;
	p2 =	slt.u32 s8, $0xFFFFF086  }
0x1c: {  	p1 =	slt.u32 s9, $0xF7A;
	s5 =	simm.s32 @!p2 $0x0  }
0x1d: {  	s5 =	simm.s32 @p1 $0x1;
	p0 =	seq.s32 s7, s2  }
0x1e: {  	s7 =	smul.u32 @!p0 $0xF7A, s2;
	p2 =	seq.s32 @!p0 s5, $0x0  }
0x1f: {  	s9 =	smul.u32 $0xF7A, s1;
	s8 =	simm.s32 @!p0 $0x1BF5;
	p2 =	por !p2, p0  }
0x20: {  	[sflag:s8] =	ssyncset.s32 @!p0 $0xFFFFF086;
	s6 =	sadd.s32 @!p0 s3, s7;
	s7 =	simm.s32 @!p0 $0x108  }
0x21: {  	s3 =	sadd.s32 s3, s9;
	s6 =	sadd.s32 @!p0 $0x88, s6;
	s7 =	simm.s32 @p2 $0x1082  }
0x22: {  	[simem:s7], [sflag:s8] =	dma.local @!p0 [hbm:s6], $0xF7A  }
0x23: {  	s9 =	sor.u32 $0xD0000000, s2;
	s6 =	simm.s32 $0x108;
	_ =	swait.ge @!p0 [sflag:s8], $0x0  }
0x24: {  	s3 =	sadd.s32 $0x88, s3;
	s6 =	simm.s32 @!p1 $0x1082;
	[sflag:s4] =	ssyncset.s32 $0xFFFFF086  }
0x25: {  	[simem:s6], [sflag:s4] =	dma.local [hbm:s3], $0xF7A  }
0x26: {  	[smem:$0x3F99] =	sst s1;
	(tag) =	ssettag s2;
	_ =	strace s9  }
0x27: {  	s1 =	sld [smem:$0x3FA9]  }
0x28: {  	s2 =	sld [smem:$0x3FAA]  }
0x29: {  	s4 =	sld [smem:$0x3FAC]  }
0x2a: {  	p0 =	seq.s32 s5, $0x0;
	s5 =	sld [smem:$0x3FAD]  }
0x2b: {  	s6 =	sld [smem:$0x3FAE]  }
0x2c: {  	s7 =	sld [smem:$0x3FAF]  }
0x2d: {  	s3 =	simm.s32 $0x108;
	s8 =	sld [smem:$0x3FB0]  }
0x2e: {  	s3 =	simm.s32 @!p0 $0x1082;
	s9 =	sld [smem:$0x3FB1]  }
0x2f: {  	lr =	sadd.s32 s0, s3;
	s0 =	sld [smem:$0x3FA8]  }
0x30: {  	s3 =	sld [smem:$0x3FAB]  }
0x31: {  	[smem:$0x3FB4] =	sst s10  }
0x32: {  	s10 =	sld [smem:$0x3FB2];
	_ =	sdelay $0x3  }
0x33: {  	p0 =	seq.s32 s10, $0x1;
	s10 =	sld [smem:$0x3FB4];
	_ =	sdelay $0x3  }
0x34: {  	[smem:$0x3FB4] =	sst s10  }
0x35: {  	s10 =	sld [smem:$0x3FB3];
	_ =	sdelay $0x3  }
0x36: {  	p1 =	seq.s32 s10, $0x1;
	s10 =	sld [smem:$0x3FB4];
	_ =	sdelay $0x3  }
0x37: {  	[smem:$0x3FB4] =	sst s10  }
0x38: {  	s10 =	sld [smem:$0x3FB5]  }
0x39: {  	_ = 	snop;
	(pc) =	sbr.ind lr, $3  }
0x3a: {  	_ = 	snop  }
0x3b: {  	_ = 	snop  }
0x3c: {  	p2 =	seq.s32 s10, $0x1;
	s10 =	sld [smem:$0x3FB4]  }
0x3d: {  	_ =	shalt  }
0x3e: {  	_ =	shalt  }
0x3f: {  	_ =	shalt  }
0x40: {  	_ =	shalt  }
0x41: {  	_ =	shalt  }
0x42: {  	_ =	shalt  }
0x43: {  	_ =	shalt  }
0x44: {  	_ =	shalt  }
0x45: {  	_ =	shalt  }
0x46: {  	_ =	shalt  }
0x47: {  	_ =	shalt  }
0x48: {  	_ =	shalt  }
0x49: {  	_ =	shalt  }
0x4a: {  	_ =	shalt  }
0x4b: {  	_ =	shalt  }
0x4c: {  	_ =	shalt  }
0x4d: {  	_ =	shalt  }
0x4e: {  	_ =	shalt  }
0x4f: {  	_ =	shalt  }
0x50: {  	_ =	shalt  }
0x51: {  	_ =	shalt  }
0x52: {  	_ =	shalt  }
0x53: {  	_ =	shalt  }
0x54: {  	_ =	shalt  }
0x55: {  	_ =	shalt  }
0x56: {  	_ =	shalt  }
0x57: {  	_ =	shalt  }
0x58: {  	_ =	shalt  }
0x59: {  	_ =	shalt  }
0x5a: {  	_ =	shalt  }
0x5b: {  	_ =	shalt  }
0x5c: {  	_ =	shalt  }
0x5d: {  	_ =	shalt  }
0x5e: {  	_ =	shalt  }
0x5f: {  	_ =	shalt  }
0x60: {  	_ =	shalt  }
0x61: {  	_ =	shalt  }
0x62: {  	_ =	shalt  }
0x63: {  	_ =	shalt  }
0x64: {  	_ =	shalt  }
0x65: {  	_ =	shalt  }
0x66: {  	_ =	shalt  }
0x67: {  	_ =	shalt  }
0x68: {  	_ =	shalt  }
0x69: {  	_ =	shalt  }
0x6a: {  	_ =	shalt  }
0x6b: {  	_ =	shalt  }
0x6c: {  	_ =	shalt  }
0x6d: {  	_ =	shalt  }
0x6e: {  	_ =	shalt  }
0x6f: {  	_ =	shalt  }
0x70: {  	_ =	shalt  }
0x71: {  	_ =	shalt  }
0x72: {  	_ =	shalt  }
0x73: {  	_ =	shalt  }
0x74: {  	_ =	shalt  }
0x75: {  	_ =	shalt  }
0x76: {  	_ =	shalt  }
0x77: {  	_ =	shalt  }
0x78: {  	_ =	shalt  }
0x79: {  	_ =	shalt  }
0x7a: {  	_ =	shalt  }
0x7b: {  	_ =	shalt  }
0x7c: {  	_ =	shalt  }
0x7d: {  	_ =	shalt  }
0x7e: {  	_ =	shalt  }
0x7f: {  	_ =	shalt  }
0x80: {  	_ =	shalt  }
0x81: {  	_ =	shalt  }
0x82: {  	_ =	shalt  }
0x83: {  	_ =	shalt  }
0x84: {  	_ =	shalt  }
0x85: {  	_ =	shalt  }
0x86: {  	_ =	shalt  }
0x87: {  	_ =	shalt  }
.Lfunc_end0:
.L_simem_size_0:
called_computation.1_lowered:
.L_overlay_start_0:
0x88: {  	s2 =	sld [smem:$0x3FD9]  }
0x89: {  	s3 =	sld [smem:$0x3FFE];
	_ =	sdelay $0x1  }
0x8a: {  	s1 =	srdreg.scid  }
0x8b: {  	s0 =	sand.u32 $0x1, s1  }
0x8c: {  	s17 =	sshll.u32 s0, $0xA;
	s2 =	sadd.s32 s3, s2  }
0x8d: {  	s2 =	sadd.s32 s2, s17  }
0x8e: {  	[smem:$0x3FC0] =	sst s2  }
0x8f: {  	_ = 	snop  }
0x90: {  	s2 =	sld [smem:$0x3FD0];
	(tm) =	ssettm $0x1  }
0x91: {  	s18 =	sld [smem:$0x3FFB];
	_ =	sdelay $0x3  }
0x92: {  	_ =	strace s18  }
0x93: {  	s3 =	sld [smem:$0x3FFC];
	_ =	sdelay $0x3  }
0x94: {  	_ =	strace s3  }
0x95: {  	s3 =	sld [smem:$0x3FFD];
	_ =	sdelay $0x3  }
0x96: {  	_ =	strace s3  }
0x97: {  	_ =	strace $0x8FFFFFFF  }
0x98: {  	s19 =	sld [smem:$0x3FDB];
	_ =	sdelay $0x1  }
0x99: {  	s4 =	simm.s32 $_scs_section_size  }
0x9a: {  	s5 =	simm.s32 $_size__tile_overlayer_lowered;
	s6 =	simm.s32 $_tile_overlayer_lowered  }
0x9b: {  	s22 =	simm.s32 $0x1BFF;
	s21 =	sshll.u32 s6, $0x1;
	s3 =	sadd.s32 s4, s19  }
0x9c: {  	s7 =	simm.s32 $0x0;
	s20 =	sshll.u32 s5, $0x1;
	s5 =	sadd.s32 s21, s3  }
0x9d: {  	[timem:s7], [sflag:s22] =	dma.local [hbm:s5], s20  }
0x9e: {  	_ =	swait.ge [sflag:s22], s20  }
0x9f: {  	s4 =	ssub.s32 $0x0, s20;
	[sflag:s22] =	ssyncset.done $0x0  }
0xa0: {  	[sflag:s22] =	ssyncadd.s32 s4;
	_ =	sdelay $0x1  }
0xa1: {  	s23 =	simm.s32 $0x1B8B  }
0xa2: {  	_ =	swait.ge [sflag:s23], $0x1  }
0xa3: {  	[sflag:s23] =	ssyncset.done $0x0  }
0xa4: {  	s25 =	simm.s32 $0x1B8E;
	s24 =	sld [smem:$0x3FFE];
	[sflag:s23] =	ssyncadd.s32 $0xFFFFFFFF  }
0xa5: {  	s26 =	simm.s32 $execute0_lowered;
	[smem:$0x3FD2] =	sst s25  }
0xa6: {  	s5 =	sshll.u32 s26, $0x1;
	_ =	strace $0x80000049;
	[dreg:$0x1] =	wrdreg $0xFFFFFFFF  }
0xa7: {  	s28 =	simm.s32 $_size_execute0_lowered;
	s3 =	sadd.s32 s3, s5;
	[dreg:$0x0] =	wrdreg $0x0  }
0xa8: {  	s5 =	sshll.u32 s28, $0x1;
	[dreg:$0x2] =	wrdreg s3  }
0xa9: {  	[dreg:$0x3] =	wrdreg s5  }
0xaa: {  	[dreg:$0x4] =	wrdreg $0xC0  }
0xab: {  	_ =	task [dreg:s7], $0x5FFFF  }
0xac: {  	[dreg:$0x1] =	wrdreg $0xFFFFFFFF  }
0xad: {  	[dreg:$0x0] =	wrdreg $0x60  }
0xae: {  	[dreg:$0x2] =	wrdreg s24  }
0xaf: {  	[dreg:$0x3] =	wrdreg s2  }
0xb0: {  	[dreg:$0x4] =	wrdreg $0x0  }
0xb1: {  	[dreg:$0x5] =	wrdreg $0x9  }
0xb2: {  	_ =	task.clear_ibuf [dreg:s7], $0x6FFFF;
	_ =	strace $0x90000049  }
0xb3: {  	s29 =	simm.s32 $0x9;
	_ =	strace $0x8000004B  }
0xb4: {  	_ =	swait.ge [sflag:s29], $0x1  }
0xb5: {  	[sflag:s29] =	ssyncadd.s32 $0xFFFFFFFF  }
0xb6: {  	_ =	strace $0x9000004B  }
0xb7: {  	_ =	sfence  }
0xb8: {  	s30 =	sld [smem:$0x0];
	_ =	sdelay $0x2  }
0xb9: {  	s31 =	sshll.u32 s1, $0xD;
	s1 =	sshrl.u32 s1, $0x2  }
0xba: {  	s3 =	sand.u32 $0x4000, s31;
	s1 =	sadd.s32 s1, s30  }
0xbb: {  	s0 =	sor.u32 s3, s0;
	s1 =	sshll.u32 s1, $0x11  }
0xbc: {  	s0 =	sor.u32 s1, s0  }
0xbd: {  	s0 =	sadd.s32 $0x8F2B, s0  }
0xbe: {  	[sflag:s0] =	ssyncadd.remote.s32 $0x1  }
0xbf: {  	_ =	sfence.sel $0xFFFF  }
0xc0: {  	[dreg:$0x0] =	wrdreg $0xFFFFFFFF;
	(pc) =	sbr.abs _section_cstart, $3  }
0xc1: {  	[dreg:$0x1] =	wrdreg $0xFFFFFFFF  }
0xc2: {  	_ =	task.clear_ibuf [dreg:s7], $0x2FFFF;
	_ =	strace $0x9FFFFFFF  }
0xc3: {  	(tm) =	ssettm $0x7FFFFFFF  }
tec
execute0_lowered:
.L_overlay_start_1:
0x0: {  	(tag) =	ssettag $0x1  }
0x1: {  	s4 =	rddreg [dreg:$0x0]  }
0x2: {  	s1 =	rddreg [dreg:$0x1]  }
0x3: {  	s2 =	rddreg [dreg:$0x2]  }
0x4: {  	s0 =	rddreg [dreg:$0x3];
	s3 =	simm.s32 $0x0  }
0x5: {  	s5 =	srdreg.scid;
	s8 =	stileid.u32;
	s11 =	simm.s32 $0x17880  }
0x6: {  	s12 =	simm.s32 $0x50;
	s13 =	simm.s32 $0x0;
	[smem:$0x7FF] =	sst s3  }
0x7: {  	s5 =	sand.u32 $0x1, s5;
	s6 =	sshll.u32 s8, $0xC;
	s10 =	smul.u32 $0x4E200, s8  }
0x8: {  	p0 =	sne.s32 s8, $0x0;
	_ =	strace $0x8000004A;
	s7 =	sshll.u32 s5, $0xB  }
0x9: {  	s9 =	smul.u32 $0x27100, s5;
	s5 =	ssub.s32 $0x2, s5;
	s6 =	sor.u32 s7, s6  }
0xa: {  	s8 =	sshrl.u32 @!p0 s2, $0x3;
	s31 =	sshrl.u32 s5, $0x1;
	s6 =	sadd.s32 s6, s4  }
0xb: {  	s9 =	sadd.s32 s9, s4;
	s7 =	ssub.s32 s5, s31;
	s4 =	sadd.s32 $0x9D7E00, s6  }
0xc: {  	s5 =	sadd.s32 $0x13E00, s9;
	s9 =	sadd.s32 s10, s9;
	s6 =	smax.u32 s7, $0x1  }
0xd: {  	s10 =	simm.s32 $0x1;
	s7 =	sadd.s32 $0x9E7E00, s9;
	s9 =	simm.s32 $0x13880  }
.LBB2_1:
0xe: {  	s14 =	simm.s32 @!p0 $0x1C01  }
0xf: {  	[spmem:s8], [sflag:s14] =	dma.local @!p0 [hbm:s1], $0x27100  }
0x10: {  	s14 =	simm.s32 @!p0 $0x1  }
0x11: {  	_ =	swait.ge @!p0 [sflag:s14], $0x27100  }
0x12: {  	[sflag:s14] =	ssyncset.done @!p0 $0x0  }
0x13: {  	[sflag:s14] =	ssyncadd.s32 @!p0 $0xFFFD8F00  }
0x14: {  	[bflag:$0x0] =	sbarrier.arrive $0xFFFF  }
0x15: {  	[tilespmem:s9], [sflag:$0x1] =	stream.linear.gather [hbm4b:s4+s3], $0x3E80, $0x38;
	[tilespmem:$0x1A080] =	vst v63  }
0x16: {  	_ =	swait.ge [sflag:s10], $0x3E80  }
0x17: {  	[sflag:s10] =	ssyncset.done $0x0  }
0x18: {  	[sflag:s10] =	ssyncadd.s32 $0xFFFFC180  }
0x19: {  	[tilespmem:s11], [sflag:$0x1] =	stream.linear.gather [hbm4b:s7+s3], $0x2800, $0x38;
	[tilespmem:$0x1A080] =	vst v63  }
0x1a: {  	_ =	swait.ge [sflag:s10], $0x2800  }
0x1b: {  	[sflag:s10] =	ssyncset.done $0x0  }
0x1c: {  	s31 =	simm.s32 $0x13880;
	[sflag:s10] =	ssyncadd.s32 $0xFFFFD800  }
0x1d: {  	[spmem:s2] =	stream.indirect.scatter.add.f32 [tilespmem:s11], [sflag:$0x1], $0x80, s31, s12, $0xb8;
	[tilespmem:$0x1A080] =	vst v63  }
0x1e: {  	_ =	swait.ge [sflag:s10], $0x2800  }
0x1f: {  	s15 =	smov.u32 s7;
	s14 =	simm.s32 $0x200;
	[sflag:s10] =	ssyncset.done $0x0  }
.LBB2_2:
0x20: {  	p1 =	sne.s32 s14, $0xF800;
	[sflag:s10] =	ssyncadd.s32 $0xFFFFD800;
	s15 =	sadd.s32 $0x500, s15  }
0x21: {  	[tilespmem:s11], [sflag:$0x1] =	stream.linear.gather [hbm4b:s15+s3], $0x2800, $0x38;
	[tilespmem:$0x1A080] =	vst v63  }
0x22: {  	s16 =	smov.u32 s14;
	s14 =	sadd.s32 $0x200, s14;
	_ =	swait.ge [sflag:s10], $0x2800  }
.Ltmp0:
0x23: {  	s16 =	sshra.s32 s16, $0x2;
	[sflag:s10] =	ssyncset.done $0x0;
	(pc) =	sbr.rel @p1 .LBB2_2-.Ltmp0, $4  }
0x24: {  	s16 =	sadd.s32 $0x13880, s16;
	[sflag:s10] =	ssyncadd.s32 $0xFFFFD800  }
0x25: {  	[spmem:s2] =	stream.indirect.scatter.add.f32 [tilespmem:s11], [sflag:$0x1], $0x80, s16, s12, $0xb8;
	[tilespmem:$0x1A080] =	vst v63  }
0x26: {  	_ =	swait.ge [sflag:s10], $0x2800  }
0x27: {  	[sflag:s10] =	ssyncset.done $0x0  }
0x28: {  	[sflag:s10] =	ssyncadd.s32 $0xFFFFD800;
	s13 =	sadd.s32 $0x1, s13  }
0x29: {  	s14 =	simm.s32 @!p0 $0x1C01;
	[bflag:$0x0] =	sbarrier.arrive $0xFFFF;
	p1 =	sne.s32 s13, s6  }
0x2a: {  	[hbm:s5], [sflag:s14] =	dma.local @!p0 [spmem:s8], $0x27100  }
.Ltmp1:
0x2b: {  	_ = 	snop;
	(pc) =	sbr.rel @p1 .LBB2_1-.Ltmp1, $4  }
0x2c: {  	s14 =	simm.s32 @!p0 $0x1  }
0x2d: {  	_ =	swait.ge @!p0 [sflag:s14], $0x27100  }
0x2e: {  	[sflag:s14] =	ssyncset.done @!p0 $0x0  }
0x2f: {  	[sflag:s14] =	ssyncadd.s32 @!p0 $0xFFFD8F00  }
0x30: {  	_ =	sfence.sel $0x180000  }
0x31: {  	[bflag:$0x0] =	sbarrier.arrive $0xFFFF  }
0x32: {  	_ =	strace $0x9000004A  }
0x33: {  	s0 =	sadd.s32 @!p0 $0x100000, s0;
	[bflag:$0x2] =	sbarrier.arrive $0xFFFF  }
0x34: {  	[sflag:s0] =	ssyncadd.tile.s32 @!p0 $0x1;
	_ =	shalt  }
.Lfunc_end2:
_tile_overlayer_lowered:
.L_overlay_start_2:
0x35: {  	(tag) =	ssettag $0x2  }
0x36: {  	s0 =	rddreg [dreg:$0x0];
	s2 =	stileid.u32  }
0x37: {  	s1 =	rddreg [dreg:$0x1];
	p0 =	sne.s32 s2, $0x0  }
0x38: {  	s3 =	rddreg [dreg:$0x2];
	[bflag:$0x3] =	sbarrier.arrive $0xFFFF;
	s2 =	simm.s32 @!p0 $0x1C01  }
0x39: {  	[timem:s3], [sflag:s2] =	dma.local @!p0 [hbm:s0], s1  }
0x3a: {  	s0 =	simm.s32 @!p0 $0x1  }
0x3b: {  	_ =	swait.ge @!p0 [sflag:s0], s1  }
0x3c: {  	s1 =	ssub.s32 @!p0 $0x0, s1;
	[sflag:s0] =	ssyncset.done @!p0 $0x0  }
0x3d: {  	[sflag:s0] =	ssyncadd.s32 @!p0 s1  }
0x3e: {  	[bflag:$0x3] =	sbarrier.arrive $0xFFFF  }
0x3f: {  	_ =	shalt  }

// kernel: kernel.20.cloned.1.call-start
scs
__scs_entry_jumppad:
0x0: {  	(pc) =	sbr.rel $0x88, $3  }
0x1: {  	(tag) =	ssettag $0x0;
	lr =	simm.s32 $0x1  }
0x2: {  	[smem:$0x3F99] =	sst lr;
	_ =	strace $0xD0000000  }
0x3: {  	_ = 	snop  }
0x4: {  	_ = 	snop  }
0x5: {  	_ = 	snop  }
0x6: {  	_ = 	snop  }
0x7: {  	_ = 	snop  }
__scs_overlays_trampoline_lowered:
0x8: {  	[smem:$0x3FA8] =	sst s0  }
0x9: {  	[smem:$0x3FA9] =	sst s1  }
0xa: {  	[smem:$0x3FAA] =	sst s2  }
0xb: {  	[smem:$0x3FAB] =	sst s3  }
0xc: {  	[smem:$0x3FAC] =	sst s4  }
0xd: {  	[smem:$0x3FAD] =	sst s5  }
0xe: {  	[smem:$0x3FAE] =	sst s6  }
0xf: {  	[smem:$0x3FAF] =	sst s7  }
0x10: {  	[smem:$0x3FB0] =	sst s8  }
0x11: {  	[smem:$0x3FB1] =	sst s9;
	s0 =	simm.s32 @!p0 $0x0  }
0x12: {  	s1 =	sld [smem:$0x3F97];
	s0 =	simm.s32 @p0 $0x1  }
0x13: {  	[smem:$0x3FB2] =	sst s0;
	s0 =	simm.s32 @!p1 $0x0  }
0x14: {  	s2 =	sld [smem:$0x3F96];
	s0 =	simm.s32 @p1 $0x1  }
0x15: {  	[smem:$0x3FB3] =	sst s0;
	s0 =	simm.s32 @!p2 $0x0  }
0x16: {  	s3 =	sld [smem:$0x3FDB];
	s0 =	simm.s32 @p2 $0x1  }
0x17: {  	s4 =	simm.s32 $0x1BF5;
	[smem:$0x3FB5] =	sst s0  }
0x18: {  	s0 =	sld [smem:$0x3F98];
	_ =	swait.ge [sflag:s4], $0x0  }
0x19: {  	s7 =	sld [smem:$0x3F99]  }
0x1a: {  	s8 =	sadd.s32 $0xFFFFE003, lr  }
0x1b: {  	s9 =	sadd.s32 $0xFFFFFEF7, lr;
	s5 =	simm.s32 $0xFFFFFFFF;
	p2 =	slt.u32 s8, $0xFFFFF086  }
0x1c: {  	p1 =	slt.u32 s9, $0xF7A;
	s5 =	simm.s32 @!p2 $0x0  }
0x1d: {  	s5 =	simm.s32 @p1 $0x1;
	p0 =	seq.s32 s7, s2  }
0x1e: {  	s7 =	smul.u32 @!p0 $0xF7A, s2;
	p2 =	seq.s32 @!p0 s5, $0x0  }
0x1f: {  	s9 =	smul.u32 $0xF7A, s1;
	s8 =	simm.s32 @!p0 $0x1BF5;
	p2 =	por !p2, p0  }
0x20: {  	[sflag:s8] =	ssyncset.s32 @!p0 $0xFFFFF086;
	s6 =	sadd.s32 @!p0 s3, s7;
	s7 =	simm.s32 @!p0 $0x108  }
0x21: {  	s3 =	sadd.s32 s3, s9;
	s6 =	sadd.s32 @!p0 $0x88, s6;
	s7 =	simm.s32 @p2 $0x1082  }
0x22: {  	[simem:s7], [sflag:s8] =	dma.local @!p0 [hbm:s6], $0xF7A  }
0x23: {  	s9 =	sor.u32 $0xD0000000, s2;
	s6 =	simm.s32 $0x108;
	_ =	swait.ge @!p0 [sflag:s8], $0x0  }
0x24: {  	s3 =	sadd.s32 $0x88, s3;
	s6 =	simm.s32 @!p1 $0x1082;
	[sflag:s4] =	ssyncset.s32 $0xFFFFF086  }
0x25: {  	[simem:s6], [sflag:s4] =	dma.local [hbm:s3], $0xF7A  }
0x26: {  	[smem:$0x3F99] =	sst s1;
	(tag) =	ssettag s2;
	_ =	strace s9  }
0x27: {  	s1 =	sld [smem:$0x3FA9]  }
0x28: {  	s2 =	sld [smem:$0x3FAA]  }
0x29: {  	s4 =	sld [smem:$0x3FAC]  }
0x2a: {  	p0 =	seq.s32 s5, $0x0;
	s5 =	sld [smem:$0x3FAD]  }
0x2b: {  	s6 =	sld [smem:$0x3FAE]  }
0x2c: {  	s7 =	sld [smem:$0x3FAF]  }
0x2d: {  	s3 =	simm.s32 $0x108;
	s8 =	sld [smem:$0x3FB0]  }
0x2e: {  	s3 =	simm.s32 @!p0 $0x1082;
	s9 =	sld [smem:$0x3FB1]  }
0x2f: {  	lr =	sadd.s32 s0, s3;
	s0 =	sld [smem:$0x3FA8]  }
0x30: {  	s3 =	sld [smem:$0x3FAB]  }
0x31: {  	[smem:$0x3FB4] =	sst s10  }
0x32: {  	s10 =	sld [smem:$0x3FB2];
	_ =	sdelay $0x3  }
0x33: {  	p0 =	seq.s32 s10, $0x1;
	s10 =	sld [smem:$0x3FB4];
	_ =	sdelay $0x3  }
0x34: {  	[smem:$0x3FB4] =	sst s10  }
0x35: {  	s10 =	sld [smem:$0x3FB3];
	_ =	sdelay $0x3  }
0x36: {  	p1 =	seq.s32 s10, $0x1;
	s10 =	sld [smem:$0x3FB4];
	_ =	sdelay $0x3  }
0x37: {  	[smem:$0x3FB4] =	sst s10  }
0x38: {  	s10 =	sld [smem:$0x3FB5]  }
0x39: {  	_ = 	snop;
	(pc) =	sbr.ind lr, $3  }
0x3a: {  	_ = 	snop  }
0x3b: {  	_ = 	snop  }
0x3c: {  	p2 =	seq.s32 s10, $0x1;
	s10 =	sld [smem:$0x3FB4]  }
0x3d: {  	_ =	shalt  }
0x3e: {  	_ =	shalt  }
0x3f: {  	_ =	shalt  }
0x40: {  	_ =	shalt  }
0x41: {  	_ =	shalt  }
0x42: {  	_ =	shalt  }
0x43: {  	_ =	shalt  }
0x44: {  	_ =	shalt  }
0x45: {  	_ =	shalt  }
0x46: {  	_ =	shalt  }
0x47: {  	_ =	shalt  }
0x48: {  	_ =	shalt  }
0x49: {  	_ =	shalt  }
0x4a: {  	_ =	shalt  }
0x4b: {  	_ =	shalt  }
0x4c: {  	_ =	shalt  }
0x4d: {  	_ =	shalt  }
0x4e: {  	_ =	shalt  }
0x4f: {  	_ =	shalt  }
0x50: {  	_ =	shalt  }
0x51: {  	_ =	shalt  }
0x52: {  	_ =	shalt  }
0x53: {  	_ =	shalt  }
0x54: {  	_ =	shalt  }
0x55: {  	_ =	shalt  }
0x56: {  	_ =	shalt  }
0x57: {  	_ =	shalt  }
0x58: {  	_ =	shalt  }
0x59: {  	_ =	shalt  }
0x5a: {  	_ =	shalt  }
0x5b: {  	_ =	shalt  }
0x5c: {  	_ =	shalt  }
0x5d: {  	_ =	shalt  }
0x5e: {  	_ =	shalt  }
0x5f: {  	_ =	shalt  }
0x60: {  	_ =	shalt  }
0x61: {  	_ =	shalt  }
0x62: {  	_ =	shalt  }
0x63: {  	_ =	shalt  }
0x64: {  	_ =	shalt  }
0x65: {  	_ =	shalt  }
0x66: {  	_ =	shalt  }
0x67: {  	_ =	shalt  }
0x68: {  	_ =	shalt  }
0x69: {  	_ =	shalt  }
0x6a: {  	_ =	shalt  }
0x6b: {  	_ =	shalt  }
0x6c: {  	_ =	shalt  }
0x6d: {  	_ =	shalt  }
0x6e: {  	_ =	shalt  }
0x6f: {  	_ =	shalt  }
0x70: {  	_ =	shalt  }
0x71: {  	_ =	shalt  }
0x72: {  	_ =	shalt  }
0x73: {  	_ =	shalt  }
0x74: {  	_ =	shalt  }
0x75: {  	_ =	shalt  }
0x76: {  	_ =	shalt  }
0x77: {  	_ =	shalt  }
0x78: {  	_ =	shalt  }
0x79: {  	_ =	shalt  }
0x7a: {  	_ =	shalt  }
0x7b: {  	_ =	shalt  }
0x7c: {  	_ =	shalt  }
0x7d: {  	_ =	shalt  }
0x7e: {  	_ =	shalt  }
0x7f: {  	_ =	shalt  }
0x80: {  	_ =	shalt  }
0x81: {  	_ =	shalt  }
0x82: {  	_ =	shalt  }
0x83: {  	_ =	shalt  }
0x84: {  	_ =	shalt  }
0x85: {  	_ =	shalt  }
0x86: {  	_ =	shalt  }
0x87: {  	_ =	shalt  }
.Lfunc_end0:
.L_simem_size_0:
called_computation.2_lowered:
.L_overlay_start_0:
0x88: {  	s2 =	sld [smem:$0x3FD9]  }
0x89: {  	s3 =	sld [smem:$0x3FFE];
	_ =	sdelay $0x1  }
0x8a: {  	s1 =	srdreg.scid  }
0x8b: {  	s0 =	sand.u32 $0x1, s1  }
0x8c: {  	s16 =	sshll.u32 s0, $0xA;
	s2 =	sadd.s32 s3, s2  }
0x8d: {  	s2 =	sadd.s32 s2, s16  }
0x8e: {  	[smem:$0x3FC0] =	sst s2  }
0x8f: {  	_ = 	snop  }
0x90: {  	(tm) =	ssettm $0x1  }
0x91: {  	s17 =	sld [smem:$0x3FFB];
	_ =	sdelay $0x3  }
0x92: {  	_ =	strace s17  }
0x93: {  	s2 =	sld [smem:$0x3FFC];
	_ =	sdelay $0x3  }
0x94: {  	_ =	strace s2  }
0x95: {  	s2 =	sld [smem:$0x3FFD];
	_ =	sdelay $0x3  }
0x96: {  	_ =	strace s2  }
0x97: {  	_ =	strace $0x8FFFFFFF  }
0x98: {  	s18 =	sld [smem:$0x3FDB];
	_ =	sdelay $0x1  }
0x99: {  	s19 =	simm.s32 $_scs_section_size  }
0x9a: {  	s4 =	simm.s32 $_size__tile_overlayer_lowered;
	s5 =	simm.s32 $_tile_overlayer_lowered  }
0x9b: {  	s22 =	simm.s32 $0x1BFF;
	s21 =	sshll.u32 s5, $0x1;
	s2 =	sadd.s32 s19, s18  }
0x9c: {  	s6 =	simm.s32 $0x0;
	s20 =	sshll.u32 s4, $0x1;
	s4 =	sadd.s32 s21, s2  }
0x9d: {  	[timem:s6], [sflag:s22] =	dma.local [hbm:s4], s20  }
0x9e: {  	_ =	swait.ge [sflag:s22], s20  }
0x9f: {  	s3 =	ssub.s32 $0x0, s20;
	[sflag:s22] =	ssyncset.done $0x0  }
0xa0: {  	[sflag:s22] =	ssyncadd.s32 s3;
	_ =	sdelay $0x1  }
0xa1: {  	s23 =	simm.s32 $0x1B8B  }
0xa2: {  	_ =	swait.ge [sflag:s23], $0x1  }
0xa3: {  	[sflag:s23] =	ssyncset.done $0x0  }
0xa4: {  	s25 =	simm.s32 $0x1B8E;
	s24 =	sld [smem:$0x3FFE];
	[sflag:s23] =	ssyncadd.s32 $0xFFFFFFFF  }
0xa5: {  	s26 =	simm.s32 $execute0_lowered;
	[smem:$0x3FD2] =	sst s25  }
0xa6: {  	s4 =	sshll.u32 s26, $0x1;
	_ =	strace $0x8000004C;
	[dreg:$0x1] =	wrdreg $0xFFFFFFFF  }
0xa7: {  	s28 =	simm.s32 $_size_execute0_lowered;
	s2 =	sadd.s32 s2, s4;
	[dreg:$0x0] =	wrdreg $0x0  }
0xa8: {  	s4 =	sshll.u32 s28, $0x1;
	[dreg:$0x2] =	wrdreg s2  }
0xa9: {  	[dreg:$0x3] =	wrdreg s4  }
0xaa: {  	[dreg:$0x4] =	wrdreg $0xC0  }
0xab: {  	_ =	task [dreg:s6], $0x5FFFF  }
0xac: {  	[dreg:$0x1] =	wrdreg $0xFFFFFFFF  }
0xad: {  	[dreg:$0x0] =	wrdreg $0x60  }
0xae: {  	[dreg:$0x2] =	wrdreg s24  }
0xaf: {  	[dreg:$0x3] =	wrdreg $0x0  }
0xb0: {  	[dreg:$0x4] =	wrdreg $0x9  }
0xb1: {  	_ =	task.clear_ibuf [dreg:s6], $0x5FFFF;
	_ =	strace $0x9000004C  }
0xb2: {  	s29 =	simm.s32 $0x9;
	_ =	strace $0x8000004E  }
0xb3: {  	_ =	swait.ge [sflag:s29], $0x1  }
0xb4: {  	[sflag:s29] =	ssyncadd.s32 $0xFFFFFFFF  }
0xb5: {  	_ =	strace $0x9000004E  }
0xb6: {  	_ =	sfence  }
0xb7: {  	s30 =	sld [smem:$0x0];
	_ =	sdelay $0x2  }
0xb8: {  	s31 =	sshll.u32 s1, $0xD;
	s1 =	sshrl.u32 s1, $0x2  }
0xb9: {  	s3 =	sand.u32 $0x4000, s31;
	s1 =	sadd.s32 s1, s30  }
0xba: {  	s0 =	sor.u32 s3, s0;
	s1 =	sshll.u32 s1, $0x11  }
0xbb: {  	s0 =	sor.u32 s1, s0  }
0xbc: {  	s0 =	sadd.s32 $0x8F2B, s0  }
0xbd: {  	[sflag:s0] =	ssyncadd.remote.s32 $0x1  }
0xbe: {  	_ =	sfence.sel $0xFFFF  }
0xbf: {  	[dreg:$0x0] =	wrdreg $0xFFFFFFFF;
	(pc) =	sbr.abs _section_cstart, $3  }
0xc0: {  	[dreg:$0x1] =	wrdreg $0xFFFFFFFF  }
0xc1: {  	_ =	task.clear_ibuf [dreg:s6], $0x2FFFF;
	_ =	strace $0x9FFFFFFF  }
0xc2: {  	(tm) =	ssettm $0x7FFFFFFF  }
0xc3: {  	_ =	shalt  }
tec
execute0_lowered:
.L_overlay_start_1:
0x0: {  	(tag) =	ssettag $0x1  }
0x1: {  	s5 =	rddreg [dreg:$0x0]  }
0x2: {  	s1 =	rddreg [dreg:$0x1]  }
0x3: {  	s0 =	rddreg [dreg:$0x2]  }
0x4: {  	s2 =	simm.s32 $0x0;
	s6 =	srdreg.scid;
	s9 =	stileid.u32  }
0x5: {  	s13 =	simm.s32 $0x50;
	s14 =	simm.s32 $0x17880;
	s15 =	simm.s32 $0x1  }
0x6: {  	s16 =	simm.s32 $0x1A080;
	s17 =	simm.s32 $0x0;
	[smem:$0x7FF] =	sst s2  }
0x7: {  	s3 =	sadd.s32 $0x9E7E00, s5;
	s4 =	sadd.s32 $0x13E00, s5;
	s6 =	sand.u32 $0x1, s6  }
0x8: {  	s7 =	sshll.u32 s9, $0xC;
	s10 =	smul.u32 $0x4E200, s9;
	p0 =	sne.s32 s9, $0x0  }
0x9: {  	_ =	strace $0x8000004D;
	s8 =	sshll.u32 s6, $0xB;
	s11 =	ssub.s32 $0x2, s6  }
0xa: {  	s12 =	smul.u32 $0x27100, s6;
	s7 =	sor.u32 s8, s7;
	s29 =	sshrl.u32 s11, $0x1  }
0xb: {  	s31 =	sadd.s32 s10, s5;
	s30 =	sadd.s32 s7, s5;
	s8 =	ssub.s32 s11, s29  }
0xc: {  	s10 =	sadd.s32 s12, s31;
	s11 =	simm.s32 $0x13880;
	s12 =	simm.s32 $0x2  }
0xd: {  	s5 =	sadd.s32 $0x3E00, s30;
	s6 =	sadd.s32 $0x62000, s30;
	s7 =	smax.u32 s8, $0x1  }
0xe: {  	s8 =	sadd.s32 $0x72000, s10;
	s9 =	sadd.s32 $0xEC9E00, s10;
	s10 =	sshrl.u32 @!p0 s1, $0x3  }
.LBB2_1:
0xf: {  	s18 =	simm.s32 @!p0 $0x1C02  }
0x10: {  	[spmem:s10], [sflag:s18] =	dma.local @!p0 [hbm:s4], $0x27100  }
0x11: {  	s18 =	simm.s32 @!p0 $0x2  }
0x12: {  	_ =	swait.ge @!p0 [sflag:s18], $0x27100  }
0x13: {  	[sflag:s18] =	ssyncset.done @!p0 $0x0  }
0x14: {  	[sflag:s18] =	ssyncadd.s32 @!p0 $0xFFFD8F00  }
0x15: {  	[bflag:$0x0] =	sbarrier.arrive $0xFFFF  }
0x16: {  	[tilespmem:s11], [sflag:$0x2] =	stream.linear.gather [hbm4b:s5+s2], $0x3E80, $0x38;
	[tilespmem:$0x1C880] =	vst v63  }
0x17: {  	_ =	swait.ge [sflag:s12], $0x3E80  }
0x18: {  	[sflag:s12] =	ssyncset.done $0x0  }
0x19: {  	s31 =	simm.s32 $0x13880;
	[sflag:s12] =	ssyncadd.s32 $0xFFFFC180  }
0x1a: {  	[tilespmem:s14], [sflag:$0x1] =	stream.indirect.gather [spmem:s1], $0x80, s31, s13, $0xb8;
	[tilespmem:$0x1C880] =	vst v63  }
0x1b: {  	_ =	swait.ge [sflag:s15], $0x2800  }
0x1c: {  	[sflag:s15] =	ssyncset.done $0x0  }
0x1d: {  	[sflag:s15] =	ssyncadd.s32 $0xFFFFD800  }
0x1e: {  	[hbm4b:s8+s2] =	stream.linear.scatter [tilespmem:s14], [sflag:$0x2], $0x2800, $0x38;
	[tilespmem:$0x1C880] =	vst v63  }
0x1f: {  	s19 =	simm.s32 $0x400;
	_ =	swait.ge [sflag:s12], $0x2800  }
0x20: {  	s20 =	simm.s32 $0x80;
	s18 =	sadd.s32 $0x500, s8;
	[sflag:s12] =	ssyncset.done $0x0  }
.LBB2_2:
0x21: {  	s20 =	sadd.s32 $0x13880, s20  }
0x22: {  	[sflag:s12] =	ssyncadd.s32 $0xFFFFD800;
	s21 =	smov.u32 s19;
	s22 =	sadd.s32 $0x200, s19  }
0x23: {  	[tilespmem:s14], [sflag:$0x1] =	stream.indirect.gather [spmem:s1], $0x80, s20, s13, $0xb8;
	[tilespmem:$0x1C880] =	vst v63  }
0x24: {  	p1 =	sne.s32 s19, $0xF800;
	_ =	swait.ge [sflag:s15], $0x2800  }
.Ltmp0:
0x25: {  	[sflag:s15] =	ssyncset.done $0x0;
	(pc) =	sbr.rel @p1 .LBB2_2-.Ltmp0, $4  }
0x26: {  	[sflag:s15] =	ssyncadd.s32 $0xFFFFD800  }
0x27: {  	[hbm4b:s18+s2] =	stream.linear.scatter [tilespmem:s14], [sflag:$0x2], $0x2800, $0x38;
	[tilespmem:$0x1C880] =	vst v63  }
0x28: {  	s20 =	sshra.s32 s21, $0x2;
	_ =	swait.ge [sflag:s12], $0x2800  }
0x29: {  	s19 =	smov.u32 s22;
	s18 =	sadd.s32 $0x500, s18;
	[sflag:s12] =	ssyncset.done $0x0  }
0x2a: {  	s19 =	sadd.s32 $0x13880, s20;
	[sflag:s12] =	ssyncadd.s32 $0xFFFFD800  }
0x2b: {  	[tilespmem:s14], [sflag:$0x1] =	stream.indirect.gather [spmem:s1], $0x80, s19, s13, $0xb8;
	[tilespmem:$0x1C880] =	vst v63  }
0x2c: {  	_ =	swait.ge [sflag:s15], $0x2800  }
0x2d: {  	[sflag:s15] =	ssyncset.done $0x0  }
0x2e: {  	[sflag:s15] =	ssyncadd.s32 $0xFFFFD800  }
0x2f: {  	[hbm4b:s18+s2] =	stream.linear.scatter [tilespmem:s14], [sflag:$0x2], $0x2800, $0x38;
	[tilespmem:$0x1C880] =	vst v63  }
0x30: {  	_ =	swait.ge [sflag:s12], $0x2800  }
0x31: {  	[sflag:s12] =	ssyncset.done $0x0  }
0x32: {  	s30 =	simm.s32 $0x0;
	[sflag:s12] =	ssyncadd.s32 $0xFFFFD800  }
0x33: {  	[tilespmem:s11], [sflag:$0x2] =	stream.linear.gather [hbm4b:s6+s30], $0x3E80, $0x38;
	[tilespmem:$0x1C880] =	vst v63  }
0x34: {  	_ =	swait.ge [sflag:s12], $0x3E80  }
0x35: {  	[sflag:s12] =	ssyncset.done $0x0  }
0x36: {  	s31 =	simm.s32 $0x13880;
	[sflag:s12] =	ssyncadd.s32 $0xFFFFC180  }
0x37: {  	[tilespmem:s16], [sflag:$0x1] =	stream.indirect.gather [hbm4b:s3+s13], $0x80, s31, s13, $0xb8;
	[tilespmem:$0x1C880] =	vst v63  }
0x38: {  	_ =	swait.ge [sflag:s15], $0x2800  }
0x39: {  	[sflag:s15] =	ssyncset.done $0x0  }
0x3a: {  	[sflag:s15] =	ssyncadd.s32 $0xFFFFD800  }
0x3b: {  	[hbm4b:s9+s2] =	stream.linear.scatter [tilespmem:s16], [sflag:$0x2], $0x2800, $0x38;
	[tilespmem:$0x1C880] =	vst v63  }
0x3c: {  	s20 =	simm.s32 $0x80;
	_ =	swait.ge [sflag:s12], $0x2800  }
0x3d: {  	s19 =	simm.s32 $0x400;
	s18 =	sadd.s32 $0x500, s9;
	[sflag:s12] =	ssyncset.done $0x0  }
.LBB2_4:
0x3e: {  	s20 =	sadd.s32 $0x13880, s20  }
0x3f: {  	[sflag:s12] =	ssyncadd.s32 $0xFFFFD800;
	s21 =	smov.u32 s19;
	s22 =	sadd.s32 $0x200, s19  }
0x40: {  	[tilespmem:s16], [sflag:$0x1] =	stream.indirect.gather [hbm4b:s3+s13], $0x80, s20, s13, $0xb8;
	[tilespmem:$0x1C880] =	vst v63  }
0x41: {  	p1 =	sne.s32 s19, $0xF800;
	_ =	swait.ge [sflag:s15], $0x2800  }
.Ltmp1:
0x42: {  	[sflag:s15] =	ssyncset.done $0x0;
	(pc) =	sbr.rel @p1 .LBB2_4-.Ltmp1, $4  }
0x43: {  	[sflag:s15] =	ssyncadd.s32 $0xFFFFD800  }
0x44: {  	[hbm4b:s18+s2] =	stream.linear.scatter [tilespmem:s16], [sflag:$0x2], $0x2800, $0x38;
	[tilespmem:$0x1C880] =	vst v63  }
0x45: {  	s20 =	sshra.s32 s21, $0x2;
	_ =	swait.ge [sflag:s12], $0x2800  }
0x46: {  	s19 =	smov.u32 s22;
	s18 =	sadd.s32 $0x500, s18;
	[sflag:s12] =	ssyncset.done $0x0  }
0x47: {  	s19 =	sadd.s32 $0x13880, s20;
	[sflag:s12] =	ssyncadd.s32 $0xFFFFD800  }
0x48: {  	[tilespmem:s16], [sflag:$0x1] =	stream.indirect.gather [hbm4b:s3+s13], $0x80, s19, s13, $0xb8;
	[tilespmem:$0x1C880] =	vst v63  }
0x49: {  	s17 =	sadd.s32 $0x1, s17;
	_ =	swait.ge [sflag:s15], $0x2800  }
0x4a: {  	p1 =	sne.s32 s17, s7;
	[sflag:s15] =	ssyncset.done $0x0  }
.Ltmp2:
0x4b: {  	[sflag:s15] =	ssyncadd.s32 $0xFFFFD800;
	(pc) =	sbr.rel @p1 .LBB2_1-.Ltmp2, $4  }
0x4c: {  	[hbm4b:s18+s2] =	stream.linear.scatter [tilespmem:s16], [sflag:$0x2], $0x2800, $0x38;
	[tilespmem:$0x1C880] =	vst v63  }
0x4d: {  	_ =	swait.ge [sflag:s12], $0x2800  }
0x4e: {  	[sflag:s12] =	ssyncset.done $0x0  }
0x4f: {  	[sflag:s12] =	ssyncadd.s32 $0xFFFFD800  }
0x50: {  	_ =	sfence.sel $0x180000  }
0x51: {  	[bflag:$0x0] =	sbarrier.arrive $0xFFFF  }
0x52: {  	_ =	strace $0x9000004D  }
0x53: {  	s0 =	sadd.s32 @!p0 $0x100000, s0;
	[bflag:$0x2] =	sbarrier.arrive $0xFFFF  }
0x54: {  	[sflag:s0] =	ssyncadd.tile.s32 @!p0 $0x1;
	_ =	shalt  }
.Lfunc_end2:
_tile_overlayer_lowered:
.L_overlay_start_2:
0x55: {  	(tag) =	ssettag $0x2  }
0x56: {  	s0 =	rddreg [dreg:$0x0];
	s2 =	stileid.u32  }
0x57: {  	s1 =	rddreg [dreg:$0x1];
	p0 =	sne.s32 s2, $0x0  }
0x58: {  	s3 =	rddreg [dreg:$0x2];
	[bflag:$0x3] =	sbarrier.arrive $0xFFFF;
	s2 =	simm.s32 @!p0 $0x1C02  }
0x59: {  	[timem:s3], [sflag:s2] =	dma.local @!p0 [hbm:s0], s1  }
0x5a: {  	s0 =	simm.s32 @!p0 $0x2  }
0x5b: {  	_ =	swait.ge @!p0 [sflag:s0], s1  }
0x5c: {  	s1 =	ssub.s32 @!p0 $0x0, s1;
	[sflag:s0] =	ssyncset.done @!p0 $0x0  }
0x5d: {  	[sflag:s0] =	ssyncadd.s32 @!p0 s1  }
0x5e: {  	[bflag:$0x3] =	sbarrier.arrive $0xFFFF  }
0x5f: {  	_ =	shalt  }

// kernel: kernel.23.cloned.1.call-start
scs
__scs_entry_jumppad:
0x0: {  	(pc) =	sbr.rel $0x88, $3  }
0x1: {  	(tag) =	ssettag $0x0;
	lr =	simm.s32 $0x1  }
0x2: {  	[smem:$0x3F99] =	sst lr;
	_ =	strace $0xD0000000  }
0x3: {  	_ = 	snop  }
0x4: {  	_ = 	snop  }
0x5: {  	_ = 	snop  }
0x6: {  	_ = 	snop  }
0x7: {  	_ = 	snop  }
__scs_overlays_trampoline_lowered:
0x8: {  	[smem:$0x3FA8] =	sst s0  }
0x9: {  	[smem:$0x3FA9] =	sst s1  }
0xa: {  	[smem:$0x3FAA] =	sst s2  }
0xb: {  	[smem:$0x3FAB] =	sst s3  }
0xc: {  	[smem:$0x3FAC] =	sst s4  }
0xd: {  	[smem:$0x3FAD] =	sst s5  }
0xe: {  	[smem:$0x3FAE] =	sst s6  }
0xf: {  	[smem:$0x3FAF] =	sst s7  }
0x10: {  	[smem:$0x3FB0] =	sst s8  }
0x11: {  	[smem:$0x3FB1] =	sst s9;
	s0 =	simm.s32 @!p0 $0x0  }
0x12: {  	s1 =	sld [smem:$0x3F97];
	s0 =	simm.s32 @p0 $0x1  }
0x13: {  	[smem:$0x3FB2] =	sst s0;
	s0 =	simm.s32 @!p1 $0x0  }
0x14: {  	s2 =	sld [smem:$0x3F96];
	s0 =	simm.s32 @p1 $0x1  }
0x15: {  	[smem:$0x3FB3] =	sst s0;
	s0 =	simm.s32 @!p2 $0x0  }
0x16: {  	s3 =	sld [smem:$0x3FDB];
	s0 =	simm.s32 @p2 $0x1  }
0x17: {  	s4 =	simm.s32 $0x1BF5;
	[smem:$0x3FB5] =	sst s0  }
0x18: {  	s0 =	sld [smem:$0x3F98];
	_ =	swait.ge [sflag:s4], $0x0  }
0x19: {  	s7 =	sld [smem:$0x3F99]  }
0x1a: {  	s8 =	sadd.s32 $0xFFFFE003, lr  }
0x1b: {  	s9 =	sadd.s32 $0xFFFFFEF7, lr;
	s5 =	simm.s32 $0xFFFFFFFF;
	p2 =	slt.u32 s8, $0xFFFFF086  }
0x1c: {  	p1 =	slt.u32 s9, $0xF7A;
	s5 =	simm.s32 @!p2 $0x0  }
0x1d: {  	s5 =	simm.s32 @p1 $0x1;
	p0 =	seq.s32 s7, s2  }
0x1e: {  	s7 =	smul.u32 @!p0 $0xF7A, s2;
	p2 =	seq.s32 @!p0 s5, $0x0  }
0x1f: {  	s9 =	smul.u32 $0xF7A, s1;
	s8 =	simm.s32 @!p0 $0x1BF5;
	p2 =	por !p2, p0  }
0x20: {  	[sflag:s8] =	ssyncset.s32 @!p0 $0xFFFFF086;
	s6 =	sadd.s32 @!p0 s3, s7;
	s7 =	simm.s32 @!p0 $0x108  }
0x21: {  	s3 =	sadd.s32 s3, s9;
	s6 =	sadd.s32 @!p0 $0x88, s6;
	s7 =	simm.s32 @p2 $0x1082  }
0x22: {  	[simem:s7], [sflag:s8] =	dma.local @!p0 [hbm:s6], $0xF7A  }
0x23: {  	s9 =	sor.u32 $0xD0000000, s2;
	s6 =	simm.s32 $0x108;
	_ =	swait.ge @!p0 [sflag:s8], $0x0  }
0x24: {  	s3 =	sadd.s32 $0x88, s3;
	s6 =	simm.s32 @!p1 $0x1082;
	[sflag:s4] =	ssyncset.s32 $0xFFFFF086  }
0x25: {  	[simem:s6], [sflag:s4] =	dma.local [hbm:s3], $0xF7A  }
0x26: {  	[smem:$0x3F99] =	sst s1;
	(tag) =	ssettag s2;
	_ =	strace s9  }
0x27: {  	s1 =	sld [smem:$0x3FA9]  }
0x28: {  	s2 =	sld [smem:$0x3FAA]  }
0x29: {  	s4 =	sld [smem:$0x3FAC]  }
0x2a: {  	p0 =	seq.s32 s5, $0x0;
	s5 =	sld [smem:$0x3FAD]  }
0x2b: {  	s6 =	sld [smem:$0x3FAE]  }
0x2c: {  	s7 =	sld [smem:$0x3FAF]  }
0x2d: {  	s3 =	simm.s32 $0x108;
	s8 =	sld [smem:$0x3FB0]  }
0x2e: {  	s3 =	simm.s32 @!p0 $0x1082;
	s9 =	sld [smem:$0x3FB1]  }
0x2f: {  	lr =	sadd.s32 s0, s3;
	s0 =	sld [smem:$0x3FA8]  }
0x30: {  	s3 =	sld [smem:$0x3FAB]  }
0x31: {  	[smem:$0x3FB4] =	sst s10  }
0x32: {  	s10 =	sld [smem:$0x3FB2];
	_ =	sdelay $0x3  }
0x33: {  	p0 =	seq.s32 s10, $0x1;
	s10 =	sld [smem:$0x3FB4];
	_ =	sdelay $0x3  }
0x34: {  	[smem:$0x3FB4] =	sst s10  }
0x35: {  	s10 =	sld [smem:$0x3FB3];
	_ =	sdelay $0x3  }
0x36: {  	p1 =	seq.s32 s10, $0x1;
	s10 =	sld [smem:$0x3FB4];
	_ =	sdelay $0x3  }
0x37: {  	[smem:$0x3FB4] =	sst s10  }
0x38: {  	s10 =	sld [smem:$0x3FB5]  }
0x39: {  	_ = 	snop;
	(pc) =	sbr.ind lr, $3  }
0x3a: {  	_ = 	snop  }
0x3b: {  	_ = 	snop  }
0x3c: {  	p2 =	seq.s32 s10, $0x1;
	s10 =	sld [smem:$0x3FB4]  }
0x3d: {  	_ =	shalt  }
0x3e: {  	_ =	shalt  }
0x3f: {  	_ =	shalt  }
0x40: {  	_ =	shalt  }
0x41: {  	_ =	shalt  }
0x42: {  	_ =	shalt  }
0x43: {  	_ =	shalt  }
0x44: {  	_ =	shalt  }
0x45: {  	_ =	shalt  }
0x46: {  	_ =	shalt  }
0x47: {  	_ =	shalt  }
0x48: {  	_ =	shalt  }
0x49: {  	_ =	shalt  }
0x4a: {  	_ =	shalt  }
0x4b: {  	_ =	shalt  }
0x4c: {  	_ =	shalt  }
0x4d: {  	_ =	shalt  }
0x4e: {  	_ =	shalt  }
0x4f: {  	_ =	shalt  }
0x50: {  	_ =	shalt  }
0x51: {  	_ =	shalt  }
0x52: {  	_ =	shalt  }
0x53: {  	_ =	shalt  }
0x54: {  	_ =	shalt  }
0x55: {  	_ =	shalt  }
0x56: {  	_ =	shalt  }
0x57: {  	_ =	shalt  }
0x58: {  	_ =	shalt  }
0x59: {  	_ =	shalt  }
0x5a: {  	_ =	shalt  }
0x5b: {  	_ =	shalt  }
0x5c: {  	_ =	shalt  }
0x5d: {  	_ =	shalt  }
0x5e: {  	_ =	shalt  }
0x5f: {  	_ =	shalt  }
0x60: {  	_ =	shalt  }
0x61: {  	_ =	shalt  }
0x62: {  	_ =	shalt  }
0x63: {  	_ =	shalt  }
0x64: {  	_ =	shalt  }
0x65: {  	_ =	shalt  }
0x66: {  	_ =	shalt  }
0x67: {  	_ =	shalt  }
0x68: {  	_ =	shalt  }
0x69: {  	_ =	shalt  }
0x6a: {  	_ =	shalt  }
0x6b: {  	_ =	shalt  }
0x6c: {  	_ =	shalt  }
0x6d: {  	_ =	shalt  }
0x6e: {  	_ =	shalt  }
0x6f: {  	_ =	shalt  }
0x70: {  	_ =	shalt  }
0x71: {  	_ =	shalt  }
0x72: {  	_ =	shalt  }
0x73: {  	_ =	shalt  }
0x74: {  	_ =	shalt  }
0x75: {  	_ =	shalt  }
0x76: {  	_ =	shalt  }
0x77: {  	_ =	shalt  }
0x78: {  	_ =	shalt  }
0x79: {  	_ =	shalt  }
0x7a: {  	_ =	shalt  }
0x7b: {  	_ =	shalt  }
0x7c: {  	_ =	shalt  }
0x7d: {  	_ =	shalt  }
0x7e: {  	_ =	shalt  }
0x7f: {  	_ =	shalt  }
0x80: {  	_ =	shalt  }
0x81: {  	_ =	shalt  }
0x82: {  	_ =	shalt  }
0x83: {  	_ =	shalt  }
0x84: {  	_ =	shalt  }
0x85: {  	_ =	shalt  }
0x86: {  	_ =	shalt  }
0x87: {  	_ =	shalt  }
.Lfunc_end0:
.L_simem_size_0:
called_computation.3_lowered:
.L_overlay_start_0:
0x88: {  	s2 =	sld [smem:$0x3FD9]  }
0x89: {  	s3 =	sld [smem:$0x3FFE];
	_ =	sdelay $0x1  }
0x8a: {  	s1 =	srdreg.scid  }
0x8b: {  	s0 =	sand.u32 $0x1, s1  }
0x8c: {  	s17 =	sshll.u32 s0, $0xA;
	s2 =	sadd.s32 s3, s2  }
0x8d: {  	s2 =	sadd.s32 s2, s17  }
0x8e: {  	[smem:$0x3FC0] =	sst s2  }
0x8f: {  	_ = 	snop  }
0x90: {  	s2 =	sld [smem:$0x3FD0];
	(tm) =	ssettm $0x1  }
0x91: {  	s18 =	sld [smem:$0x3FFB];
	_ =	sdelay $0x3  }
0x92: {  	_ =	strace s18  }
0x93: {  	s3 =	sld [smem:$0x3FFC];
	_ =	sdelay $0x3  }
0x94: {  	_ =	strace s3  }
0x95: {  	s3 =	sld [smem:$0x3FFD];
	_ =	sdelay $0x3  }
0x96: {  	_ =	strace s3  }
0x97: {  	_ =	strace $0x8FFFFFFF  }
0x98: {  	s19 =	sld [smem:$0x3FDB];
	_ =	sdelay $0x1  }
0x99: {  	s4 =	simm.s32 $_scs_section_size  }
0x9a: {  	s5 =	simm.s32 $_size__tile_overlayer_lowered;
	s6 =	simm.s32 $_tile_overlayer_lowered  }
0x9b: {  	s22 =	simm.s32 $0x1BFF;
	s21 =	sshll.u32 s6, $0x1;
	s3 =	sadd.s32 s4, s19  }
0x9c: {  	s7 =	simm.s32 $0x0;
	s20 =	sshll.u32 s5, $0x1;
	s5 =	sadd.s32 s21, s3  }
0x9d: {  	[timem:s7], [sflag:s22] =	dma.local [hbm:s5], s20  }
0x9e: {  	_ =	swait.ge [sflag:s22], s20  }
0x9f: {  	s4 =	ssub.s32 $0x0, s20;
	[sflag:s22] =	ssyncset.done $0x0  }
0xa0: {  	[sflag:s22] =	ssyncadd.s32 s4;
	_ =	sdelay $0x1  }
0xa1: {  	s23 =	simm.s32 $0x1B8B  }
0xa2: {  	_ =	swait.ge [sflag:s23], $0x1  }
0xa3: {  	[sflag:s23] =	ssyncset.done $0x0  }
0xa4: {  	s25 =	simm.s32 $0x1B8E;
	s24 =	sld [smem:$0x3FFE];
	[sflag:s23] =	ssyncadd.s32 $0xFFFFFFFF  }
0xa5: {  	s26 =	simm.s32 $execute0_lowered;
	[smem:$0x3FD2] =	sst s25  }
0xa6: {  	s5 =	sshll.u32 s26, $0x1;
	_ =	strace $0x8000004F;
	[dreg:$0x1] =	wrdreg $0xFFFFFFFF  }
0xa7: {  	s28 =	simm.s32 $_size_execute0_lowered;
	s3 =	sadd.s32 s3, s5;
	[dreg:$0x0] =	wrdreg $0x0  }
0xa8: {  	s5 =	sshll.u32 s28, $0x1;
	[dreg:$0x2] =	wrdreg s3  }
0xa9: {  	[dreg:$0x3] =	wrdreg s5  }
0xaa: {  	[dreg:$0x4] =	wrdreg $0xC0  }
0xab: {  	_ =	task [dreg:s7], $0x5FFFF  }
0xac: {  	[dreg:$0x1] =	wrdreg $0xFFFFFFFF  }
0xad: {  	[dreg:$0x0] =	wrdreg $0x60  }
0xae: {  	[dreg:$0x2] =	wrdreg s24  }
0xaf: {  	[dreg:$0x3] =	wrdreg s2  }
0xb0: {  	[dreg:$0x4] =	wrdreg $0x0  }
0xb1: {  	[dreg:$0x5] =	wrdreg $0x9  }
0xb2: {  	_ =	task.clear_ibuf [dreg:s7], $0x6FFFF;
	_ =	strace $0x9000004F  }
0xb3: {  	s29 =	simm.s32 $0x9;
	_ =	strace $0x80000051  }
0xb4: {  	_ =	swait.ge [sflag:s29], $0x1  }
0xb5: {  	[sflag:s29] =	ssyncadd.s32 $0xFFFFFFFF  }
0xb6: {  	_ =	strace $0x90000051  }
0xb7: {  	_ =	sfence  }
0xb8: {  	s30 =	sld [smem:$0x0];
	_ =	sdelay $0x2  }
0xb9: {  	s31 =	sshll.u32 s1, $0xD;
	s1 =	sshrl.u32 s1, $0x2  }
0xba: {  	s3 =	sand.u32 $0x4000, s31;
	s1 =	sadd.s32 s1, s30  }
0xbb: {  	s0 =	sor.u32 s3, s0;
	s1 =	sshll.u32 s1, $0x11  }
0xbc: {  	s0 =	sor.u32 s1, s0  }
0xbd: {  	s0 =	sadd.s32 $0x8F2B, s0  }
0xbe: {  	[sflag:s0] =	ssyncadd.remote.s32 $0x1  }
0xbf: {  	_ =	sfence.sel $0xFFFF  }
0xc0: {  	[dreg:$0x0] =	wrdreg $0xFFFFFFFF;
	(pc) =	sbr.abs _section_cstart, $3  }
0xc1: {  	[dreg:$0x1] =	wrdreg $0xFFFFFFFF  }
0xc2: {  	_ =	task.clear_ibuf [dreg:s7], $0x2FFFF;
	_ =	strace $0x9FFFFFFF  }
0xc3: {  	(tm) =	ssettm $0x7FFFFFFF  }
tec
execute0_lowered:
.L_overlay_start_1:
0x0: {  	(tag) =	ssettag $0x1  }
0x1: {  	s4 =	rddreg [dreg:$0x0]  }
0x2: {  	s1 =	rddreg [dreg:$0x1]  }
0x3: {  	s2 =	rddreg [dreg:$0x2]  }
0x4: {  	s0 =	rddreg [dreg:$0x3];
	s3 =	simm.s32 $0x0  }
0x5: {  	s5 =	srdreg.scid;
	s8 =	stileid.u32;
	s11 =	simm.s32 $0x17880  }
0x6: {  	s12 =	simm.s32 $0x50;
	s13 =	simm.s32 $0x0;
	[smem:$0x7FF] =	sst s3  }
0x7: {  	s5 =	sand.u32 $0x1, s5;
	s6 =	sshll.u32 s8, $0xC;
	s10 =	smul.u32 $0x4E200, s8  }
0x8: {  	p0 =	sne.s32 s8, $0x0;
	_ =	strace $0x80000050;
	s7 =	sshll.u32 s5, $0xB  }
0x9: {  	s9 =	smul.u32 $0x27100, s5;
	s5 =	ssub.s32 $0x2, s5;
	s6 =	sor.u32 s7, s6  }
0xa: {  	s8 =	sshrl.u32 @!p0 s2, $0x3;
	s31 =	sshrl.u32 s5, $0x1;
	s6 =	sadd.s32 s6, s4  }
0xb: {  	s9 =	sadd.s32 s9, s4;
	s7 =	ssub.s32 s5, s31;
	s4 =	sadd.s32 $0x9D7E00, s6  }
0xc: {  	s5 =	sadd.s32 $0x72000, s9;
	s9 =	sadd.s32 s10, s9;
	s6 =	smax.u32 s7, $0x1  }
0xd: {  	s10 =	simm.s32 $0x1;
	s7 =	sadd.s32 $0x13ABE00, s9;
	s9 =	simm.s32 $0x13880  }
.LBB2_1:
0xe: {  	s14 =	simm.s32 @!p0 $0x1C01  }
0xf: {  	[spmem:s8], [sflag:s14] =	dma.local @!p0 [hbm:s1], $0x27100  }
0x10: {  	s14 =	simm.s32 @!p0 $0x1  }
0x11: {  	_ =	swait.ge @!p0 [sflag:s14], $0x27100  }
0x12: {  	[sflag:s14] =	ssyncset.done @!p0 $0x0  }
0x13: {  	[sflag:s14] =	ssyncadd.s32 @!p0 $0xFFFD8F00  }
0x14: {  	[bflag:$0x0] =	sbarrier.arrive $0xFFFF  }
0x15: {  	[tilespmem:s9], [sflag:$0x1] =	stream.linear.gather [hbm4b:s4+s3], $0x3E80, $0x38;
	[tilespmem:$0x1A080] =	vst v63  }
0x16: {  	_ =	swait.ge [sflag:s10], $0x3E80  }
0x17: {  	[sflag:s10] =	ssyncset.done $0x0  }
0x18: {  	[sflag:s10] =	ssyncadd.s32 $0xFFFFC180  }
0x19: {  	[tilespmem:s11], [sflag:$0x1] =	stream.linear.gather [hbm4b:s7+s3], $0x2800, $0x38;
	[tilespmem:$0x1A080] =	vst v63  }
0x1a: {  	_ =	swait.ge [sflag:s10], $0x2800  }
0x1b: {  	[sflag:s10] =	ssyncset.done $0x0  }
0x1c: {  	s31 =	simm.s32 $0x13880;
	[sflag:s10] =	ssyncadd.s32 $0xFFFFD800  }
0x1d: {  	[spmem:s2] =	stream.indirect.scatter.add.f32 [tilespmem:s11], [sflag:$0x1], $0x80, s31, s12, $0xb8;
	[tilespmem:$0x1A080] =	vst v63  }
0x1e: {  	_ =	swait.ge [sflag:s10], $0x2800  }
0x1f: {  	s15 =	smov.u32 s7;
	s14 =	simm.s32 $0x200;
	[sflag:s10] =	ssyncset.done $0x0  }
.LBB2_2:
0x20: {  	p1 =	sne.s32 s14, $0xF800;
	[sflag:s10] =	ssyncadd.s32 $0xFFFFD800;
	s15 =	sadd.s32 $0x500, s15  }
0x21: {  	[tilespmem:s11], [sflag:$0x1] =	stream.linear.gather [hbm4b:s15+s3], $0x2800, $0x38;
	[tilespmem:$0x1A080] =	vst v63  }
0x22: {  	s16 =	smov.u32 s14;
	s14 =	sadd.s32 $0x200, s14;
	_ =	swait.ge [sflag:s10], $0x2800  }
.Ltmp0:
0x23: {  	s16 =	sshra.s32 s16, $0x2;
	[sflag:s10] =	ssyncset.done $0x0;
	(pc) =	sbr.rel @p1 .LBB2_2-.Ltmp0, $4  }
0x24: {  	s16 =	sadd.s32 $0x13880, s16;
	[sflag:s10] =	ssyncadd.s32 $0xFFFFD800  }
0x25: {  	[spmem:s2] =	stream.indirect.scatter.add.f32 [tilespmem:s11], [sflag:$0x1], $0x80, s16, s12, $0xb8;
	[tilespmem:$0x1A080] =	vst v63  }
0x26: {  	_ =	swait.ge [sflag:s10], $0x2800  }
0x27: {  	[sflag:s10] =	ssyncset.done $0x0  }
0x28: {  	[sflag:s10] =	ssyncadd.s32 $0xFFFFD800;
	s13 =	sadd.s32 $0x1, s13  }
0x29: {  	s14 =	simm.s32 @!p0 $0x1C01;
	[bflag:$0x0] =	sbarrier.arrive $0xFFFF;
	p1 =	sne.s32 s13, s6  }
0x2a: {  	[hbm:s5], [sflag:s14] =	dma.local @!p0 [spmem:s8], $0x27100  }
.Ltmp1:
0x2b: {  	_ = 	snop;
	(pc) =	sbr.rel @p1 .LBB2_1-.Ltmp1, $4  }
0x2c: {  	s14 =	simm.s32 @!p0 $0x1  }
0x2d: {  	_ =	swait.ge @!p0 [sflag:s14], $0x27100  }
0x2e: {  	[sflag:s14] =	ssyncset.done @!p0 $0x0  }
0x2f: {  	[sflag:s14] =	ssyncadd.s32 @!p0 $0xFFFD8F00  }
0x30: {  	_ =	sfence.sel $0x180000  }
0x31: {  	[bflag:$0x0] =	sbarrier.arrive $0xFFFF  }
0x32: {  	_ =	strace $0x90000050  }
0x33: {  	s0 =	sadd.s32 @!p0 $0x100000, s0;
	[bflag:$0x2] =	sbarrier.arrive $0xFFFF  }
0x34: {  	[sflag:s0] =	ssyncadd.tile.s32 @!p0 $0x1;
	_ =	shalt  }
.Lfunc_end2:
_tile_overlayer_lowered:
.L_overlay_start_2:
0x35: {  	(tag) =	ssettag $0x2  }
0x36: {  	s0 =	rddreg [dreg:$0x0];
	s2 =	stileid.u32  }
0x37: {  	s1 =	rddreg [dreg:$0x1];
	p0 =	sne.s32 s2, $0x0  }
0x38: {  	s3 =	rddreg [dreg:$0x2];
	[bflag:$0x3] =	sbarrier.arrive $0xFFFF;
	s2 =	simm.s32 @!p0 $0x1C01  }
0x39: {  	[timem:s3], [sflag:s2] =	dma.local @!p0 [hbm:s0], s1  }
0x3a: {  	s0 =	simm.s32 @!p0 $0x1  }
0x3b: {  	_ =	swait.ge @!p0 [sflag:s0], s1  }
0x3c: {  	s1 =	ssub.s32 @!p0 $0x0, s1;
	[sflag:s0] =	ssyncset.done @!p0 $0x0  }
0x3d: {  	[sflag:s0] =	ssyncadd.s32 @!p0 s1  }
0x3e: {  	[bflag:$0x3] =	sbarrier.arrive $0xFFFF  }
0x3f: {  	_ =	shalt  }

// kernel: kernel.26.cloned.1.call-start
scs
__scs_entry_jumppad:
0x0: {  	(pc) =	sbr.rel $0x88, $3  }
0x1: {  	(tag) =	ssettag $0x0;
	lr =	simm.s32 $0x1  }
0x2: {  	[smem:$0x3F99] =	sst lr;
	_ =	strace $0xD0000000  }
0x3: {  	_ = 	snop  }
0x4: {  	_ = 	snop  }
0x5: {  	_ = 	snop  }
0x6: {  	_ = 	snop  }
0x7: {  	_ = 	snop  }
__scs_overlays_trampoline_lowered:
0x8: {  	[smem:$0x3FA8] =	sst s0  }
0x9: {  	[smem:$0x3FA9] =	sst s1  }
0xa: {  	[smem:$0x3FAA] =	sst s2  }
0xb: {  	[smem:$0x3FAB] =	sst s3  }
0xc: {  	[smem:$0x3FAC] =	sst s4  }
0xd: {  	[smem:$0x3FAD] =	sst s5  }
0xe: {  	[smem:$0x3FAE] =	sst s6  }
0xf: {  	[smem:$0x3FAF] =	sst s7  }
0x10: {  	[smem:$0x3FB0] =	sst s8  }
0x11: {  	[smem:$0x3FB1] =	sst s9;
	s0 =	simm.s32 @!p0 $0x0  }
0x12: {  	s1 =	sld [smem:$0x3F97];
	s0 =	simm.s32 @p0 $0x1  }
0x13: {  	[smem:$0x3FB2] =	sst s0;
	s0 =	simm.s32 @!p1 $0x0  }
0x14: {  	s2 =	sld [smem:$0x3F96];
	s0 =	simm.s32 @p1 $0x1  }
0x15: {  	[smem:$0x3FB3] =	sst s0;
	s0 =	simm.s32 @!p2 $0x0  }
0x16: {  	s3 =	sld [smem:$0x3FDB];
	s0 =	simm.s32 @p2 $0x1  }
0x17: {  	s4 =	simm.s32 $0x1BF5;
	[smem:$0x3FB5] =	sst s0  }
0x18: {  	s0 =	sld [smem:$0x3F98];
	_ =	swait.ge [sflag:s4], $0x0  }
0x19: {  	s7 =	sld [smem:$0x3F99]  }
0x1a: {  	s8 =	sadd.s32 $0xFFFFE003, lr  }
0x1b: {  	s9 =	sadd.s32 $0xFFFFFEF7, lr;
	s5 =	simm.s32 $0xFFFFFFFF;
	p2 =	slt.u32 s8, $0xFFFFF086  }
0x1c: {  	p1 =	slt.u32 s9, $0xF7A;
	s5 =	simm.s32 @!p2 $0x0  }
0x1d: {  	s5 =	simm.s32 @p1 $0x1;
	p0 =	seq.s32 s7, s2  }
0x1e: {  	s7 =	smul.u32 @!p0 $0xF7A, s2;
	p2 =	seq.s32 @!p0 s5, $0x0  }
0x1f: {  	s9 =	smul.u32 $0xF7A, s1;
	s8 =	simm.s32 @!p0 $0x1BF5;
	p2 =	por !p2, p0  }
0x20: {  	[sflag:s8] =	ssyncset.s32 @!p0 $0xFFFFF086;
	s6 =	sadd.s32 @!p0 s3, s7;
	s7 =	simm.s32 @!p0 $0x108  }
0x21: {  	s3 =	sadd.s32 s3, s9;
	s6 =	sadd.s32 @!p0 $0x88, s6;
	s7 =	simm.s32 @p2 $0x1082  }
0x22: {  	[simem:s7], [sflag:s8] =	dma.local @!p0 [hbm:s6], $0xF7A  }
0x23: {  	s9 =	sor.u32 $0xD0000000, s2;
	s6 =	simm.s32 $0x108;
	_ =	swait.ge @!p0 [sflag:s8], $0x0  }
0x24: {  	s3 =	sadd.s32 $0x88, s3;
	s6 =	simm.s32 @!p1 $0x1082;
	[sflag:s4] =	ssyncset.s32 $0xFFFFF086  }
0x25: {  	[simem:s6], [sflag:s4] =	dma.local [hbm:s3], $0xF7A  }
0x26: {  	[smem:$0x3F99] =	sst s1;
	(tag) =	ssettag s2;
	_ =	strace s9  }
0x27: {  	s1 =	sld [smem:$0x3FA9]  }
0x28: {  	s2 =	sld [smem:$0x3FAA]  }
0x29: {  	s4 =	sld [smem:$0x3FAC]  }
0x2a: {  	p0 =	seq.s32 s5, $0x0;
	s5 =	sld [smem:$0x3FAD]  }
0x2b: {  	s6 =	sld [smem:$0x3FAE]  }
0x2c: {  	s7 =	sld [smem:$0x3FAF]  }
0x2d: {  	s3 =	simm.s32 $0x108;
	s8 =	sld [smem:$0x3FB0]  }
0x2e: {  	s3 =	simm.s32 @!p0 $0x1082;
	s9 =	sld [smem:$0x3FB1]  }
0x2f: {  	lr =	sadd.s32 s0, s3;
	s0 =	sld [smem:$0x3FA8]  }
0x30: {  	s3 =	sld [smem:$0x3FAB]  }
0x31: {  	[smem:$0x3FB4] =	sst s10  }
0x32: {  	s10 =	sld [smem:$0x3FB2];
	_ =	sdelay $0x3  }
0x33: {  	p0 =	seq.s32 s10, $0x1;
	s10 =	sld [smem:$0x3FB4];
	_ =	sdelay $0x3  }
0x34: {  	[smem:$0x3FB4] =	sst s10  }
0x35: {  	s10 =	sld [smem:$0x3FB3];
	_ =	sdelay $0x3  }
0x36: {  	p1 =	seq.s32 s10, $0x1;
	s10 =	sld [smem:$0x3FB4];
	_ =	sdelay $0x3  }
0x37: {  	[smem:$0x3FB4] =	sst s10  }
0x38: {  	s10 =	sld [smem:$0x3FB5]  }
0x39: {  	_ = 	snop;
	(pc) =	sbr.ind lr, $3  }
0x3a: {  	_ = 	snop  }
0x3b: {  	_ = 	snop  }
0x3c: {  	p2 =	seq.s32 s10, $0x1;
	s10 =	sld [smem:$0x3FB4]  }
0x3d: {  	_ =	shalt  }
0x3e: {  	_ =	shalt  }
0x3f: {  	_ =	shalt  }
0x40: {  	_ =	shalt  }
0x41: {  	_ =	shalt  }
0x42: {  	_ =	shalt  }
0x43: {  	_ =	shalt  }
0x44: {  	_ =	shalt  }
0x45: {  	_ =	shalt  }
0x46: {  	_ =	shalt  }
0x47: {  	_ =	shalt  }
0x48: {  	_ =	shalt  }
0x49: {  	_ =	shalt  }
0x4a: {  	_ =	shalt  }
0x4b: {  	_ =	shalt  }
0x4c: {  	_ =	shalt  }
0x4d: {  	_ =	shalt  }
0x4e: {  	_ =	shalt  }
0x4f: {  	_ =	shalt  }
0x50: {  	_ =	shalt  }
0x51: {  	_ =	shalt  }
0x52: {  	_ =	shalt  }
0x53: {  	_ =	shalt  }
0x54: {  	_ =	shalt  }
0x55: {  	_ =	shalt  }
0x56: {  	_ =	shalt  }
0x57: {  	_ =	shalt  }
0x58: {  	_ =	shalt  }
0x59: {  	_ =	shalt  }
0x5a: {  	_ =	shalt  }
0x5b: {  	_ =	shalt  }
0x5c: {  	_ =	shalt  }
0x5d: {  	_ =	shalt  }
0x5e: {  	_ =	shalt  }
0x5f: {  	_ =	shalt  }
0x60: {  	_ =	shalt  }
0x61: {  	_ =	shalt  }
0x62: {  	_ =	shalt  }
0x63: {  	_ =	shalt  }
0x64: {  	_ =	shalt  }
0x65: {  	_ =	shalt  }
0x66: {  	_ =	shalt  }
0x67: {  	_ =	shalt  }
0x68: {  	_ =	shalt  }
0x69: {  	_ =	shalt  }
0x6a: {  	_ =	shalt  }
0x6b: {  	_ =	shalt  }
0x6c: {  	_ =	shalt  }
0x6d: {  	_ =	shalt  }
0x6e: {  	_ =	shalt  }
0x6f: {  	_ =	shalt  }
0x70: {  	_ =	shalt  }
0x71: {  	_ =	shalt  }
0x72: {  	_ =	shalt  }
0x73: {  	_ =	shalt  }
0x74: {  	_ =	shalt  }
0x75: {  	_ =	shalt  }
0x76: {  	_ =	shalt  }
0x77: {  	_ =	shalt  }
0x78: {  	_ =	shalt  }
0x79: {  	_ =	shalt  }
0x7a: {  	_ =	shalt  }
0x7b: {  	_ =	shalt  }
0x7c: {  	_ =	shalt  }
0x7d: {  	_ =	shalt  }
0x7e: {  	_ =	shalt  }
0x7f: {  	_ =	shalt  }
0x80: {  	_ =	shalt  }
0x81: {  	_ =	shalt  }
0x82: {  	_ =	shalt  }
0x83: {  	_ =	shalt  }
0x84: {  	_ =	shalt  }
0x85: {  	_ =	shalt  }
0x86: {  	_ =	shalt  }
0x87: {  	_ =	shalt  }
.Lfunc_end0:
.L_simem_size_0:
called_computation.4_lowered:
.L_overlay_start_0:
0x88: {  	s2 =	sld [smem:$0x3FD9]  }
0x89: {  	s3 =	sld [smem:$0x3FFE];
	_ =	sdelay $0x1  }
0x8a: {  	s1 =	srdreg.scid  }
0x8b: {  	s0 =	sand.u32 $0x1, s1  }
0x8c: {  	s16 =	sshll.u32 s0, $0xA;
	s2 =	sadd.s32 s3, s2  }
0x8d: {  	s2 =	sadd.s32 s2, s16  }
0x8e: {  	[smem:$0x3FC0] =	sst s2  }
0x8f: {  	_ = 	snop  }
0x90: {  	(tm) =	ssettm $0x1  }
0x91: {  	s17 =	sld [smem:$0x3FFB];
	_ =	sdelay $0x3  }
0x92: {  	_ =	strace s17  }
0x93: {  	s2 =	sld [smem:$0x3FFC];
	_ =	sdelay $0x3  }
0x94: {  	_ =	strace s2  }
0x95: {  	s2 =	sld [smem:$0x3FFD];
	_ =	sdelay $0x3  }
0x96: {  	_ =	strace s2  }
0x97: {  	_ =	strace $0x8FFFFFFF  }
0x98: {  	s18 =	sld [smem:$0x3FDB];
	_ =	sdelay $0x1  }
0x99: {  	s19 =	simm.s32 $_scs_section_size  }
0x9a: {  	s4 =	simm.s32 $_size__tile_overlayer_lowered;
	s5 =	simm.s32 $_tile_overlayer_lowered  }
0x9b: {  	s22 =	simm.s32 $0x1BFF;
	s21 =	sshll.u32 s5, $0x1;
	s2 =	sadd.s32 s19, s18  }
0x9c: {  	s6 =	simm.s32 $0x0;
	s20 =	sshll.u32 s4, $0x1;
	s4 =	sadd.s32 s21, s2  }
0x9d: {  	[timem:s6], [sflag:s22] =	dma.local [hbm:s4], s20  }
0x9e: {  	_ =	swait.ge [sflag:s22], s20  }
0x9f: {  	s3 =	ssub.s32 $0x0, s20;
	[sflag:s22] =	ssyncset.done $0x0  }
0xa0: {  	[sflag:s22] =	ssyncadd.s32 s3;
	_ =	sdelay $0x1  }
0xa1: {  	s23 =	simm.s32 $0x1B8B  }
0xa2: {  	_ =	swait.ge [sflag:s23], $0x1  }
0xa3: {  	[sflag:s23] =	ssyncset.done $0x0  }
0xa4: {  	s25 =	simm.s32 $0x1B8E;
	s24 =	sld [smem:$0x3FFE];
	[sflag:s23] =	ssyncadd.s32 $0xFFFFFFFF  }
0xa5: {  	s26 =	simm.s32 $execute0_lowered;
	[smem:$0x3FD2] =	sst s25  }
0xa6: {  	s4 =	sshll.u32 s26, $0x1;
	_ =	strace $0x80000052;
	[dreg:$0x1] =	wrdreg $0xFFFFFFFF  }
0xa7: {  	s28 =	simm.s32 $_size_execute0_lowered;
	s2 =	sadd.s32 s2, s4;
	[dreg:$0x0] =	wrdreg $0x0  }
0xa8: {  	s4 =	sshll.u32 s28, $0x1;
	[dreg:$0x2] =	wrdreg s2  }
0xa9: {  	[dreg:$0x3] =	wrdreg s4  }
0xaa: {  	[dreg:$0x4] =	wrdreg $0xC0  }
0xab: {  	_ =	task [dreg:s6], $0x5FFFF  }
0xac: {  	[dreg:$0x1] =	wrdreg $0xFFFFFFFF  }
0xad: {  	[dreg:$0x0] =	wrdreg $0x60  }
0xae: {  	[dreg:$0x2] =	wrdreg s24  }
0xaf: {  	[dreg:$0x3] =	wrdreg $0x0  }
0xb0: {  	[dreg:$0x4] =	wrdreg $0x9  }
0xb1: {  	_ =	task.clear_ibuf [dreg:s6], $0x5FFFF;
	_ =	strace $0x90000052  }
0xb2: {  	s29 =	simm.s32 $0x9;
	_ =	strace $0x80000054  }
0xb3: {  	_ =	swait.ge [sflag:s29], $0x1  }
0xb4: {  	[sflag:s29] =	ssyncadd.s32 $0xFFFFFFFF  }
0xb5: {  	_ =	strace $0x90000054  }
0xb6: {  	_ =	sfence  }
0xb7: {  	s30 =	sld [smem:$0x0];
	_ =	sdelay $0x2  }
0xb8: {  	s31 =	sshll.u32 s1, $0xD;
	s1 =	sshrl.u32 s1, $0x2  }
0xb9: {  	s3 =	sand.u32 $0x4000, s31;
	s1 =	sadd.s32 s1, s30  }
0xba: {  	s0 =	sor.u32 s3, s0;
	s1 =	sshll.u32 s1, $0x11  }
0xbb: {  	s0 =	sor.u32 s1, s0  }
0xbc: {  	s0 =	sadd.s32 $0x8F2B, s0  }
0xbd: {  	[sflag:s0] =	ssyncadd.remote.s32 $0x1  }
0xbe: {  	_ =	sfence.sel $0xFFFF  }
0xbf: {  	[dreg:$0x0] =	wrdreg $0xFFFFFFFF;
	(pc) =	sbr.abs _section_cstart, $3  }
0xc0: {  	[dreg:$0x1] =	wrdreg $0xFFFFFFFF  }
0xc1: {  	_ =	task.clear_ibuf [dreg:s6], $0x2FFFF;
	_ =	strace $0x9FFFFFFF  }
0xc2: {  	(tm) =	ssettm $0x7FFFFFFF  }
0xc3: {  	_ =	shalt  }
tec
execute0_lowered:
.L_overlay_start_1:
0x0: {  	(tag) =	ssettag $0x1  }
0x1: {  	s5 =	rddreg [dreg:$0x0]  }
0x2: {  	s1 =	rddreg [dreg:$0x1]  }
0x3: {  	s0 =	rddreg [dreg:$0x2]  }
0x4: {  	s2 =	simm.s32 $0x0;
	s6 =	srdreg.scid;
	s9 =	stileid.u32  }
0x5: {  	s13 =	simm.s32 $0x50;
	s14 =	simm.s32 $0x17880;
	s15 =	simm.s32 $0x1  }
0x6: {  	s16 =	simm.s32 $0x1A080;
	s17 =	simm.s32 $0x0;
	[smem:$0x7FF] =	sst s2  }
0x7: {  	s3 =	sadd.s32 $0x13ABE00, s5;
	s4 =	sadd.s32 $0x13E00, s5;
	s6 =	sand.u32 $0x1, s6  }
0x8: {  	s7 =	sshll.u32 s9, $0xC;
	s10 =	smul.u32 $0x4E200, s9;
	p0 =	sne.s32 s9, $0x0  }
0x9: {  	_ =	strace $0x80000053;
	s8 =	sshll.u32 s6, $0xB;
	s11 =	ssub.s32 $0x2, s6  }
0xa: {  	s12 =	smul.u32 $0x27100, s6;
	s7 =	sor.u32 s8, s7;
	s29 =	sshrl.u32 s11, $0x1  }
0xb: {  	s31 =	sadd.s32 s10, s5;
	s30 =	sadd.s32 s7, s5;
	s8 =	ssub.s32 s11, s29  }
0xc: {  	s10 =	sadd.s32 s12, s31;
	s11 =	simm.s32 $0x13880;
	s12 =	simm.s32 $0x2  }
0xd: {  	s5 =	sadd.s32 $0x3E00, s30;
	s6 =	sadd.s32 $0x62000, s30;
	s7 =	smax.u32 s8, $0x1  }
0xe: {  	s8 =	sadd.s32 $0x72000, s10;
	s9 =	sadd.s32 $0x9E7E00, s10;
	s10 =	sshrl.u32 @!p0 s1, $0x3  }
.LBB2_1:
0xf: {  	s18 =	simm.s32 @!p0 $0x1C02  }
0x10: {  	[spmem:s10], [sflag:s18] =	dma.local @!p0 [hbm:s4], $0x27100  }
0x11: {  	s18 =	simm.s32 @!p0 $0x2  }
0x12: {  	_ =	swait.ge @!p0 [sflag:s18], $0x27100  }
0x13: {  	[sflag:s18] =	ssyncset.done @!p0 $0x0  }
0x14: {  	[sflag:s18] =	ssyncadd.s32 @!p0 $0xFFFD8F00  }
0x15: {  	[bflag:$0x0] =	sbarrier.arrive $0xFFFF  }
0x16: {  	[tilespmem:s11], [sflag:$0x2] =	stream.linear.gather [hbm4b:s5+s2], $0x3E80, $0x38;
	[tilespmem:$0x1C880] =	vst v63  }
0x17: {  	_ =	swait.ge [sflag:s12], $0x3E80  }
0x18: {  	[sflag:s12] =	ssyncset.done $0x0  }
0x19: {  	s31 =	simm.s32 $0x13880;
	[sflag:s12] =	ssyncadd.s32 $0xFFFFC180  }
0x1a: {  	[tilespmem:s14], [sflag:$0x1] =	stream.indirect.gather [spmem:s1], $0x80, s31, s13, $0xb8;
	[tilespmem:$0x1C880] =	vst v63  }
0x1b: {  	_ =	swait.ge [sflag:s15], $0x2800  }
0x1c: {  	[sflag:s15] =	ssyncset.done $0x0  }
0x1d: {  	[sflag:s15] =	ssyncadd.s32 $0xFFFFD800  }
0x1e: {  	[hbm4b:s8+s2] =	stream.linear.scatter [tilespmem:s14], [sflag:$0x2], $0x2800, $0x38;
	[tilespmem:$0x1C880] =	vst v63  }
0x1f: {  	s19 =	simm.s32 $0x400;
	_ =	swait.ge [sflag:s12], $0x2800  }
0x20: {  	s20 =	simm.s32 $0x80;
	s18 =	sadd.s32 $0x500, s8;
	[sflag:s12] =	ssyncset.done $0x0  }
.LBB2_2:
0x21: {  	s20 =	sadd.s32 $0x13880, s20  }
0x22: {  	[sflag:s12] =	ssyncadd.s32 $0xFFFFD800;
	s21 =	smov.u32 s19;
	s22 =	sadd.s32 $0x200, s19  }
0x23: {  	[tilespmem:s14], [sflag:$0x1] =	stream.indirect.gather [spmem:s1], $0x80, s20, s13, $0xb8;
	[tilespmem:$0x1C880] =	vst v63  }
0x24: {  	p1 =	sne.s32 s19, $0xF800;
	_ =	swait.ge [sflag:s15], $0x2800  }
.Ltmp0:
0x25: {  	[sflag:s15] =	ssyncset.done $0x0;
	(pc) =	sbr.rel @p1 .LBB2_2-.Ltmp0, $4  }
0x26: {  	[sflag:s15] =	ssyncadd.s32 $0xFFFFD800  }
0x27: {  	[hbm4b:s18+s2] =	stream.linear.scatter [tilespmem:s14], [sflag:$0x2], $0x2800, $0x38;
	[tilespmem:$0x1C880] =	vst v63  }
0x28: {  	s20 =	sshra.s32 s21, $0x2;
	_ =	swait.ge [sflag:s12], $0x2800  }
0x29: {  	s19 =	smov.u32 s22;
	s18 =	sadd.s32 $0x500, s18;
	[sflag:s12] =	ssyncset.done $0x0  }
0x2a: {  	s19 =	sadd.s32 $0x13880, s20;
	[sflag:s12] =	ssyncadd.s32 $0xFFFFD800  }
0x2b: {  	[tilespmem:s14], [sflag:$0x1] =	stream.indirect.gather [spmem:s1], $0x80, s19, s13, $0xb8;
	[tilespmem:$0x1C880] =	vst v63  }
0x2c: {  	_ =	swait.ge [sflag:s15], $0x2800  }
0x2d: {  	[sflag:s15] =	ssyncset.done $0x0  }
0x2e: {  	[sflag:s15] =	ssyncadd.s32 $0xFFFFD800  }
0x2f: {  	[hbm4b:s18+s2] =	stream.linear.scatter [tilespmem:s14], [sflag:$0x2], $0x2800, $0x38;
	[tilespmem:$0x1C880] =	vst v63  }
0x30: {  	_ =	swait.ge [sflag:s12], $0x2800  }
0x31: {  	[sflag:s12] =	ssyncset.done $0x0  }
0x32: {  	s30 =	simm.s32 $0x0;
	[sflag:s12] =	ssyncadd.s32 $0xFFFFD800  }
0x33: {  	[tilespmem:s11], [sflag:$0x2] =	stream.linear.gather [hbm4b:s6+s30], $0x3E80, $0x38;
	[tilespmem:$0x1C880] =	vst v63  }
0x34: {  	_ =	swait.ge [sflag:s12], $0x3E80  }
0x35: {  	[sflag:s12] =	ssyncset.done $0x0  }
0x36: {  	s31 =	simm.s32 $0x13880;
	[sflag:s12] =	ssyncadd.s32 $0xFFFFC180  }
0x37: {  	[tilespmem:s16], [sflag:$0x1] =	stream.indirect.gather [hbm4b:s3+s13], $0x80, s31, s13, $0xb8;
	[tilespmem:$0x1C880] =	vst v63  }
0x38: {  	_ =	swait.ge [sflag:s15], $0x2800  }
0x39: {  	[sflag:s15] =	ssyncset.done $0x0  }
0x3a: {  	[sflag:s15] =	ssyncadd.s32 $0xFFFFD800  }
0x3b: {  	[hbm4b:s9+s2] =	stream.linear.scatter [tilespmem:s16], [sflag:$0x2], $0x2800, $0x38;
	[tilespmem:$0x1C880] =	vst v63  }
0x3c: {  	s20 =	simm.s32 $0x80;
	_ =	swait.ge [sflag:s12], $0x2800  }
0x3d: {  	s19 =	simm.s32 $0x400;
	s18 =	sadd.s32 $0x500, s9;
	[sflag:s12] =	ssyncset.done $0x0  }
.LBB2_4:
0x3e: {  	s20 =	sadd.s32 $0x13880, s20  }
0x3f: {  	[sflag:s12] =	ssyncadd.s32 $0xFFFFD800;
	s21 =	smov.u32 s19;
	s22 =	sadd.s32 $0x200, s19  }
0x40: {  	[tilespmem:s16], [sflag:$0x1] =	stream.indirect.gather [hbm4b:s3+s13], $0x80, s20, s13, $0xb8;
	[tilespmem:$0x1C880] =	vst v63  }
0x41: {  	p1 =	sne.s32 s19, $0xF800;
	_ =	swait.ge [sflag:s15], $0x2800  }
.Ltmp1:
0x42: {  	[sflag:s15] =	ssyncset.done $0x0;
	(pc) =	sbr.rel @p1 .LBB2_4-.Ltmp1, $4  }
0x43: {  	[sflag:s15] =	ssyncadd.s32 $0xFFFFD800  }
0x44: {  	[hbm4b:s18+s2] =	stream.linear.scatter [tilespmem:s16], [sflag:$0x2], $0x2800, $0x38;
	[tilespmem:$0x1C880] =	vst v63  }
0x45: {  	s20 =	sshra.s32 s21, $0x2;
	_ =	swait.ge [sflag:s12], $0x2800  }
0x46: {  	s19 =	smov.u32 s22;
	s18 =	sadd.s32 $0x500, s18;
	[sflag:s12] =	ssyncset.done $0x0  }
0x47: {  	s19 =	sadd.s32 $0x13880, s20;
	[sflag:s12] =	ssyncadd.s32 $0xFFFFD800  }
0x48: {  	[tilespmem:s16], [sflag:$0x1] =	stream.indirect.gather [hbm4b:s3+s13], $0x80, s19, s13, $0xb8;
	[tilespmem:$0x1C880] =	vst v63  }
0x49: {  	s17 =	sadd.s32 $0x1, s17;
	_ =	swait.ge [sflag:s15], $0x2800  }
0x4a: {  	p1 =	sne.s32 s17, s7;
	[sflag:s15] =	ssyncset.done $0x0  }
.Ltmp2:
0x4b: {  	[sflag:s15] =	ssyncadd.s32 $0xFFFFD800;
	(pc) =	sbr.rel @p1 .LBB2_1-.Ltmp2, $4  }
0x4c: {  	[hbm4b:s18+s2] =	stream.linear.scatter [tilespmem:s16], [sflag:$0x2], $0x2800, $0x38;
	[tilespmem:$0x1C880] =	vst v63  }
0x4d: {  	_ =	swait.ge [sflag:s12], $0x2800  }
0x4e: {  	[sflag:s12] =	ssyncset.done $0x0  }
0x4f: {  	[sflag:s12] =	ssyncadd.s32 $0xFFFFD800  }
0x50: {  	_ =	sfence.sel $0x180000  }
0x51: {  	[bflag:$0x0] =	sbarrier.arrive $0xFFFF  }
0x52: {  	_ =	strace $0x90000053  }
0x53: {  	s0 =	sadd.s32 @!p0 $0x100000, s0;
	[bflag:$0x2] =	sbarrier.arrive $0xFFFF  }
0x54: {  	[sflag:s0] =	ssyncadd.tile.s32 @!p0 $0x1;
	_ =	shalt  }
.Lfunc_end2:
_tile_overlayer_lowered:
.L_overlay_start_2:
0x55: {  	(tag) =	ssettag $0x2  }
0x56: {  	s0 =	rddreg [dreg:$0x0];
	s2 =	stileid.u32  }
0x57: {  	s1 =	rddreg [dreg:$0x1];
	p0 =	sne.s32 s2, $0x0  }
0x58: {  	s3 =	rddreg [dreg:$0x2];
	[bflag:$0x3] =	sbarrier.arrive $0xFFFF;
	s2 =	simm.s32 @!p0 $0x1C02  }
0x59: {  	[timem:s3], [sflag:s2] =	dma.local @!p0 [hbm:s0], s1  }
0x5a: {  	s0 =	simm.s32 @!p0 $0x2  }
0x5b: {  	_ =	swait.ge @!p0 [sflag:s0], s1  }
0x5c: {  	s1 =	ssub.s32 @!p0 $0x0, s1;
	[sflag:s0] =	ssyncset.done @!p0 $0x0  }
0x5d: {  	[sflag:s0] =	ssyncadd.s32 @!p0 s1  }
0x5e: {  	[bflag:$0x3] =	sbarrier.arrive $0xFFFF  }
0x5f: {  	_ =	shalt  }

// kernel: kernel.29.cloned.1.call-start
scs
__scs_entry_jumppad:
0x0: {  	(pc) =	sbr.rel $0x88, $3  }
0x1: {  	(tag) =	ssettag $0x0;
	lr =	simm.s32 $0x1  }
0x2: {  	[smem:$0x3F99] =	sst lr;
	_ =	strace $0xD0000000  }
0x3: {  	_ = 	snop  }
0x4: {  	_ = 	snop  }
0x5: {  	_ = 	snop  }
0x6: {  	_ = 	snop  }
0x7: {  	_ = 	snop  }
__scs_overlays_trampoline_lowered:
0x8: {  	[smem:$0x3FA8] =	sst s0  }
0x9: {  	[smem:$0x3FA9] =	sst s1  }
0xa: {  	[smem:$0x3FAA] =	sst s2  }
0xb: {  	[smem:$0x3FAB] =	sst s3  }
0xc: {  	[smem:$0x3FAC] =	sst s4  }
0xd: {  	[smem:$0x3FAD] =	sst s5  }
0xe: {  	[smem:$0x3FAE] =	sst s6  }
0xf: {  	[smem:$0x3FAF] =	sst s7  }
0x10: {  	[smem:$0x3FB0] =	sst s8  }
0x11: {  	[smem:$0x3FB1] =	sst s9;
	s0 =	simm.s32 @!p0 $0x0  }
0x12: {  	s1 =	sld [smem:$0x3F97];
	s0 =	simm.s32 @p0 $0x1  }
0x13: {  	[smem:$0x3FB2] =	sst s0;
	s0 =	simm.s32 @!p1 $0x0  }
0x14: {  	s2 =	sld [smem:$0x3F96];
	s0 =	simm.s32 @p1 $0x1  }
0x15: {  	[smem:$0x3FB3] =	sst s0;
	s0 =	simm.s32 @!p2 $0x0  }
0x16: {  	s3 =	sld [smem:$0x3FDB];
	s0 =	simm.s32 @p2 $0x1  }
0x17: {  	s4 =	simm.s32 $0x1BF5;
	[smem:$0x3FB5] =	sst s0  }
0x18: {  	s0 =	sld [smem:$0x3F98];
	_ =	swait.ge [sflag:s4], $0x0  }
0x19: {  	s7 =	sld [smem:$0x3F99]  }
0x1a: {  	s8 =	sadd.s32 $0xFFFFE003, lr  }
0x1b: {  	s9 =	sadd.s32 $0xFFFFFEF7, lr;
	s5 =	simm.s32 $0xFFFFFFFF;
	p2 =	slt.u32 s8, $0xFFFFF086  }
0x1c: {  	p1 =	slt.u32 s9, $0xF7A;
	s5 =	simm.s32 @!p2 $0x0  }
0x1d: {  	s5 =	simm.s32 @p1 $0x1;
	p0 =	seq.s32 s7, s2  }
0x1e: {  	s7 =	smul.u32 @!p0 $0xF7A, s2;
	p2 =	seq.s32 @!p0 s5, $0x0  }
0x1f: {  	s9 =	smul.u32 $0xF7A, s1;
	s8 =	simm.s32 @!p0 $0x1BF5;
	p2 =	por !p2, p0  }
0x20: {  	[sflag:s8] =	ssyncset.s32 @!p0 $0xFFFFF086;
	s6 =	sadd.s32 @!p0 s3, s7;
	s7 =	simm.s32 @!p0 $0x108  }
0x21: {  	s3 =	sadd.s32 s3, s9;
	s6 =	sadd.s32 @!p0 $0x88, s6;
	s7 =	simm.s32 @p2 $0x1082  }
0x22: {  	[simem:s7], [sflag:s8] =	dma.local @!p0 [hbm:s6], $0xF7A  }
0x23: {  	s9 =	sor.u32 $0xD0000000, s2;
	s6 =	simm.s32 $0x108;
	_ =	swait.ge @!p0 [sflag:s8], $0x0  }
0x24: {  	s3 =	sadd.s32 $0x88, s3;
	s6 =	simm.s32 @!p1 $0x1082;
	[sflag:s4] =	ssyncset.s32 $0xFFFFF086  }
0x25: {  	[simem:s6], [sflag:s4] =	dma.local [hbm:s3], $0xF7A  }
0x26: {  	[smem:$0x3F99] =	sst s1;
	(tag) =	ssettag s2;
	_ =	strace s9  }
0x27: {  	s1 =	sld [smem:$0x3FA9]  }
0x28: {  	s2 =	sld [smem:$0x3FAA]  }
0x29: {  	s4 =	sld [smem:$0x3FAC]  }
0x2a: {  	p0 =	seq.s32 s5, $0x0;
	s5 =	sld [smem:$0x3FAD]  }
0x2b: {  	s6 =	sld [smem:$0x3FAE]  }
0x2c: {  	s7 =	sld [smem:$0x3FAF]  }
0x2d: {  	s3 =	simm.s32 $0x108;
	s8 =	sld [smem:$0x3FB0]  }
0x2e: {  	s3 =	simm.s32 @!p0 $0x1082;
	s9 =	sld [smem:$0x3FB1]  }
0x2f: {  	lr =	sadd.s32 s0, s3;
	s0 =	sld [smem:$0x3FA8]  }
0x30: {  	s3 =	sld [smem:$0x3FAB]  }
0x31: {  	[smem:$0x3FB4] =	sst s10  }
0x32: {  	s10 =	sld [smem:$0x3FB2];
	_ =	sdelay $0x3  }
0x33: {  	p0 =	seq.s32 s10, $0x1;
	s10 =	sld [smem:$0x3FB4];
	_ =	sdelay $0x3  }
0x34: {  	[smem:$0x3FB4] =	sst s10  }
0x35: {  	s10 =	sld [smem:$0x3FB3];
	_ =	sdelay $0x3  }
0x36: {  	p1 =	seq.s32 s10, $0x1;
	s10 =	sld [smem:$0x3FB4];
	_ =	sdelay $0x3  }
0x37: {  	[smem:$0x3FB4] =	sst s10  }
0x38: {  	s10 =	sld [smem:$0x3FB5]  }
0x39: {  	_ = 	snop;
	(pc) =	sbr.ind lr, $3  }
0x3a: {  	_ = 	snop  }
0x3b: {  	_ = 	snop  }
0x3c: {  	p2 =	seq.s32 s10, $0x1;
	s10 =	sld [smem:$0x3FB4]  }
0x3d: {  	_ =	shalt  }
0x3e: {  	_ =	shalt  }
0x3f: {  	_ =	shalt  }
0x40: {  	_ =	shalt  }
0x41: {  	_ =	shalt  }
0x42: {  	_ =	shalt  }
0x43: {  	_ =	shalt  }
0x44: {  	_ =	shalt  }
0x45: {  	_ =	shalt  }
0x46: {  	_ =	shalt  }
0x47: {  	_ =	shalt  }
0x48: {  	_ =	shalt  }
0x49: {  	_ =	shalt  }
0x4a: {  	_ =	shalt  }
0x4b: {  	_ =	shalt  }
0x4c: {  	_ =	shalt  }
0x4d: {  	_ =	shalt  }
0x4e: {  	_ =	shalt  }
0x4f: {  	_ =	shalt  }
0x50: {  	_ =	shalt  }
0x51: {  	_ =	shalt  }
0x52: {  	_ =	shalt  }
0x53: {  	_ =	shalt  }
0x54: {  	_ =	shalt  }
0x55: {  	_ =	shalt  }
0x56: {  	_ =	shalt  }
0x57: {  	_ =	shalt  }
0x58: {  	_ =	shalt  }
0x59: {  	_ =	shalt  }
0x5a: {  	_ =	shalt  }
0x5b: {  	_ =	shalt  }
0x5c: {  	_ =	shalt  }
0x5d: {  	_ =	shalt  }
0x5e: {  	_ =	shalt  }
0x5f: {  	_ =	shalt  }
0x60: {  	_ =	shalt  }
0x61: {  	_ =	shalt  }
0x62: {  	_ =	shalt  }
0x63: {  	_ =	shalt  }
0x64: {  	_ =	shalt  }
0x65: {  	_ =	shalt  }
0x66: {  	_ =	shalt  }
0x67: {  	_ =	shalt  }
0x68: {  	_ =	shalt  }
0x69: {  	_ =	shalt  }
0x6a: {  	_ =	shalt  }
0x6b: {  	_ =	shalt  }
0x6c: {  	_ =	shalt  }
0x6d: {  	_ =	shalt  }
0x6e: {  	_ =	shalt  }
0x6f: {  	_ =	shalt  }
0x70: {  	_ =	shalt  }
0x71: {  	_ =	shalt  }
0x72: {  	_ =	shalt  }
0x73: {  	_ =	shalt  }
0x74: {  	_ =	shalt  }
0x75: {  	_ =	shalt  }
0x76: {  	_ =	shalt  }
0x77: {  	_ =	shalt  }
0x78: {  	_ =	shalt  }
0x79: {  	_ =	shalt  }
0x7a: {  	_ =	shalt  }
0x7b: {  	_ =	shalt  }
0x7c: {  	_ =	shalt  }
0x7d: {  	_ =	shalt  }
0x7e: {  	_ =	shalt  }
0x7f: {  	_ =	shalt  }
0x80: {  	_ =	shalt  }
0x81: {  	_ =	shalt  }
0x82: {  	_ =	shalt  }
0x83: {  	_ =	shalt  }
0x84: {  	_ =	shalt  }
0x85: {  	_ =	shalt  }
0x86: {  	_ =	shalt  }
0x87: {  	_ =	shalt  }
.Lfunc_end0:
.L_simem_size_0:
called_computation.5_lowered:
.L_overlay_start_0:
0x88: {  	s2 =	sld [smem:$0x3FD9]  }
0x89: {  	s3 =	sld [smem:$0x3FFE];
	_ =	sdelay $0x1  }
0x8a: {  	s1 =	srdreg.scid  }
0x8b: {  	s0 =	sand.u32 $0x1, s1  }
0x8c: {  	s17 =	sshll.u32 s0, $0xA;
	s2 =	sadd.s32 s3, s2  }
0x8d: {  	s2 =	sadd.s32 s2, s17  }
0x8e: {  	[smem:$0x3FC0] =	sst s2  }
0x8f: {  	_ = 	snop  }
0x90: {  	s2 =	sld [smem:$0x3FD0];
	(tm) =	ssettm $0x1  }
0x91: {  	s18 =	sld [smem:$0x3FFB];
	_ =	sdelay $0x3  }
0x92: {  	_ =	strace s18  }
0x93: {  	s3 =	sld [smem:$0x3FFC];
	_ =	sdelay $0x3  }
0x94: {  	_ =	strace s3  }
0x95: {  	s3 =	sld [smem:$0x3FFD];
	_ =	sdelay $0x3  }
0x96: {  	_ =	strace s3  }
0x97: {  	_ =	strace $0x8FFFFFFF  }
0x98: {  	s19 =	sld [smem:$0x3FDB];
	_ =	sdelay $0x1  }
0x99: {  	s4 =	simm.s32 $_scs_section_size  }
0x9a: {  	s5 =	simm.s32 $_size__tile_overlayer_lowered;
	s6 =	simm.s32 $_tile_overlayer_lowered  }
0x9b: {  	s22 =	simm.s32 $0x1BFF;
	s21 =	sshll.u32 s6, $0x1;
	s3 =	sadd.s32 s4, s19  }
0x9c: {  	s7 =	simm.s32 $0x0;
	s20 =	sshll.u32 s5, $0x1;
	s5 =	sadd.s32 s21, s3  }
0x9d: {  	[timem:s7], [sflag:s22] =	dma.local [hbm:s5], s20  }
0x9e: {  	_ =	swait.ge [sflag:s22], s20  }
0x9f: {  	s4 =	ssub.s32 $0x0, s20;
	[sflag:s22] =	ssyncset.done $0x0  }
0xa0: {  	[sflag:s22] =	ssyncadd.s32 s4;
	_ =	sdelay $0x1  }
0xa1: {  	s23 =	simm.s32 $0x1B8B  }
0xa2: {  	_ =	swait.ge [sflag:s23], $0x1  }
0xa3: {  	[sflag:s23] =	ssyncset.done $0x0  }
0xa4: {  	s25 =	simm.s32 $0x1B8E;
	s24 =	sld [smem:$0x3FFE];
	[sflag:s23] =	ssyncadd.s32 $0xFFFFFFFF  }
0xa5: {  	s26 =	simm.s32 $execute0_lowered;
	[smem:$0x3FD2] =	sst s25  }
0xa6: {  	s5 =	sshll.u32 s26, $0x1;
	_ =	strace $0x80000055;
	[dreg:$0x1] =	wrdreg $0xFFFFFFFF  }
0xa7: {  	s28 =	simm.s32 $_size_execute0_lowered;
	s3 =	sadd.s32 s3, s5;
	[dreg:$0x0] =	wrdreg $0x0  }
0xa8: {  	s5 =	sshll.u32 s28, $0x1;
	[dreg:$0x2] =	wrdreg s3  }
0xa9: {  	[dreg:$0x3] =	wrdreg s5  }
0xaa: {  	[dreg:$0x4] =	wrdreg $0xC0  }
0xab: {  	_ =	task [dreg:s7], $0x5FFFF  }
0xac: {  	[dreg:$0x1] =	wrdreg $0xFFFFFFFF  }
0xad: {  	[dreg:$0x0] =	wrdreg $0x60  }
0xae: {  	[dreg:$0x2] =	wrdreg s24  }
0xaf: {  	[dreg:$0x3] =	wrdreg s2  }
0xb0: {  	[dreg:$0x4] =	wrdreg $0x0  }
0xb1: {  	[dreg:$0x5] =	wrdreg $0x9  }
0xb2: {  	_ =	task.clear_ibuf [dreg:s7], $0x6FFFF;
	_ =	strace $0x90000055  }
0xb3: {  	s29 =	simm.s32 $0x9;
	_ =	strace $0x80000057  }
0xb4: {  	_ =	swait.ge [sflag:s29], $0x1  }
0xb5: {  	[sflag:s29] =	ssyncadd.s32 $0xFFFFFFFF  }
0xb6: {  	_ =	strace $0x90000057  }
0xb7: {  	_ =	sfence  }
0xb8: {  	s30 =	sld [smem:$0x0];
	_ =	sdelay $0x2  }
0xb9: {  	s31 =	sshll.u32 s1, $0xD;
	s1 =	sshrl.u32 s1, $0x2  }
0xba: {  	s3 =	sand.u32 $0x4000, s31;
	s1 =	sadd.s32 s1, s30  }
0xbb: {  	s0 =	sor.u32 s3, s0;
	s1 =	sshll.u32 s1, $0x11  }
0xbc: {  	s0 =	sor.u32 s1, s0  }
0xbd: {  	s0 =	sadd.s32 $0x8F2B, s0  }
0xbe: {  	[sflag:s0] =	ssyncadd.remote.s32 $0x1  }
0xbf: {  	_ =	sfence.sel $0xFFFF  }
0xc0: {  	[dreg:$0x0] =	wrdreg $0xFFFFFFFF;
	(pc) =	sbr.abs _section_cstart, $3  }
0xc1: {  	[dreg:$0x1] =	wrdreg $0xFFFFFFFF  }
0xc2: {  	_ =	task.clear_ibuf [dreg:s7], $0x2FFFF;
	_ =	strace $0x9FFFFFFF  }
0xc3: {  	(tm) =	ssettm $0x7FFFFFFF  }
tec
execute0_lowered:
.L_overlay_start_1:
0x0: {  	(tag) =	ssettag $0x1  }
0x1: {  	s4 =	rddreg [dreg:$0x0]  }
0x2: {  	s1 =	rddreg [dreg:$0x1]  }
0x3: {  	s2 =	rddreg [dreg:$0x2]  }
0x4: {  	s0 =	rddreg [dreg:$0x3];
	s3 =	simm.s32 $0x0  }
0x5: {  	s5 =	srdreg.scid;
	s8 =	stileid.u32;
	s11 =	simm.s32 $0x17880  }
0x6: {  	s12 =	simm.s32 $0x50;
	s13 =	simm.s32 $0x0;
	[smem:$0x7FF] =	sst s3  }
0x7: {  	s5 =	sand.u32 $0x1, s5;
	s6 =	sshll.u32 s8, $0xC;
	s10 =	smul.u32 $0x4E200, s8  }
0x8: {  	p0 =	sne.s32 s8, $0x0;
	_ =	strace $0x80000056;
	s7 =	sshll.u32 s5, $0xB  }
0x9: {  	s9 =	smul.u32 $0x27100, s5;
	s5 =	ssub.s32 $0x2, s5;
	s6 =	sor.u32 s7, s6  }
0xa: {  	s8 =	sshrl.u32 @!p0 s2, $0x3;
	s31 =	sshrl.u32 s5, $0x1;
	s6 =	sadd.s32 s6, s4  }
0xb: {  	s9 =	sadd.s32 s9, s4;
	s7 =	ssub.s32 s5, s31;
	s4 =	sadd.s32 $0x9D7E00, s6  }
0xc: {  	s5 =	sadd.s32 $0x9E7E00, s9;
	s9 =	sadd.s32 s10, s9;
	s6 =	smax.u32 s7, $0x1  }
0xd: {  	s10 =	simm.s32 $0x1;
	s7 =	sadd.s32 $0xEC9E00, s9;
	s9 =	simm.s32 $0x13880  }
.LBB2_1:
0xe: {  	s14 =	simm.s32 @!p0 $0x1C01  }
0xf: {  	[spmem:s8], [sflag:s14] =	dma.local @!p0 [hbm:s1], $0x27100  }
0x10: {  	s14 =	simm.s32 @!p0 $0x1  }
0x11: {  	_ =	swait.ge @!p0 [sflag:s14], $0x27100  }
0x12: {  	[sflag:s14] =	ssyncset.done @!p0 $0x0  }
0x13: {  	[sflag:s14] =	ssyncadd.s32 @!p0 $0xFFFD8F00  }
0x14: {  	[bflag:$0x0] =	sbarrier.arrive $0xFFFF  }
0x15: {  	[tilespmem:s9], [sflag:$0x1] =	stream.linear.gather [hbm4b:s4+s3], $0x3E80, $0x38;
	[tilespmem:$0x1A080] =	vst v63  }
0x16: {  	_ =	swait.ge [sflag:s10], $0x3E80  }
0x17: {  	[sflag:s10] =	ssyncset.done $0x0  }
0x18: {  	[sflag:s10] =	ssyncadd.s32 $0xFFFFC180  }
0x19: {  	[tilespmem:s11], [sflag:$0x1] =	stream.linear.gather [hbm4b:s7+s3], $0x2800, $0x38;
	[tilespmem:$0x1A080] =	vst v63  }
0x1a: {  	_ =	swait.ge [sflag:s10], $0x2800  }
0x1b: {  	[sflag:s10] =	ssyncset.done $0x0  }
0x1c: {  	s31 =	simm.s32 $0x13880;
	[sflag:s10] =	ssyncadd.s32 $0xFFFFD800  }
0x1d: {  	[spmem:s2] =	stream.indirect.scatter.add.f32 [tilespmem:s11], [sflag:$0x1], $0x80, s31, s12, $0xb8;
	[tilespmem:$0x1A080] =	vst v63  }
0x1e: {  	_ =	swait.ge [sflag:s10], $0x2800  }
0x1f: {  	s15 =	smov.u32 s7;
	s14 =	simm.s32 $0x200;
	[sflag:s10] =	ssyncset.done $0x0  }
.LBB2_2:
0x20: {  	p1 =	sne.s32 s14, $0xF800;
	[sflag:s10] =	ssyncadd.s32 $0xFFFFD800;
	s15 =	sadd.s32 $0x500, s15  }
0x21: {  	[tilespmem:s11], [sflag:$0x1] =	stream.linear.gather [hbm4b:s15+s3], $0x2800, $0x38;
	[tilespmem:$0x1A080] =	vst v63  }
0x22: {  	s16 =	smov.u32 s14;
	s14 =	sadd.s32 $0x200, s14;
	_ =	swait.ge [sflag:s10], $0x2800  }
.Ltmp0:
0x23: {  	s16 =	sshra.s32 s16, $0x2;
	[sflag:s10] =	ssyncset.done $0x0;
	(pc) =	sbr.rel @p1 .LBB2_2-.Ltmp0, $4  }
0x24: {  	s16 =	sadd.s32 $0x13880, s16;
	[sflag:s10] =	ssyncadd.s32 $0xFFFFD800  }
0x25: {  	[spmem:s2] =	stream.indirect.scatter.add.f32 [tilespmem:s11], [sflag:$0x1], $0x80, s16, s12, $0xb8;
	[tilespmem:$0x1A080] =	vst v63  }
0x26: {  	_ =	swait.ge [sflag:s10], $0x2800  }
0x27: {  	[sflag:s10] =	ssyncset.done $0x0  }
0x28: {  	[sflag:s10] =	ssyncadd.s32 $0xFFFFD800;
	s13 =	sadd.s32 $0x1, s13  }
0x29: {  	s14 =	simm.s32 @!p0 $0x1C01;
	[bflag:$0x0] =	sbarrier.arrive $0xFFFF;
	p1 =	sne.s32 s13, s6  }
0x2a: {  	[hbm:s5], [sflag:s14] =	dma.local @!p0 [spmem:s8], $0x27100  }
.Ltmp1:
0x2b: {  	_ = 	snop;
	(pc) =	sbr.rel @p1 .LBB2_1-.Ltmp1, $4  }
0x2c: {  	s14 =	simm.s32 @!p0 $0x1  }
0x2d: {  	_ =	swait.ge @!p0 [sflag:s14], $0x27100  }
0x2e: {  	[sflag:s14] =	ssyncset.done @!p0 $0x0  }
0x2f: {  	[sflag:s14] =	ssyncadd.s32 @!p0 $0xFFFD8F00  }
0x30: {  	_ =	sfence.sel $0x180000  }
0x31: {  	[bflag:$0x0] =	sbarrier.arrive $0xFFFF  }
0x32: {  	_ =	strace $0x90000056  }
0x33: {  	s0 =	sadd.s32 @!p0 $0x100000, s0;
	[bflag:$0x2] =	sbarrier.arrive $0xFFFF  }
0x34: {  	[sflag:s0] =	ssyncadd.tile.s32 @!p0 $0x1;
	_ =	shalt  }
.Lfunc_end2:
_tile_overlayer_lowered:
.L_overlay_start_2:
0x35: {  	(tag) =	ssettag $0x2  }
0x36: {  	s0 =	rddreg [dreg:$0x0];
	s2 =	stileid.u32  }
0x37: {  	s1 =	rddreg [dreg:$0x1];
	p0 =	sne.s32 s2, $0x0  }
0x38: {  	s3 =	rddreg [dreg:$0x2];
	[bflag:$0x3] =	sbarrier.arrive $0xFFFF;
	s2 =	simm.s32 @!p0 $0x1C01  }
0x39: {  	[timem:s3], [sflag:s2] =	dma.local @!p0 [hbm:s0], s1  }
0x3a: {  	s0 =	simm.s32 @!p0 $0x1  }
0x3b: {  	_ =	swait.ge @!p0 [sflag:s0], s1  }
0x3c: {  	s1 =	ssub.s32 @!p0 $0x0, s1;
	[sflag:s0] =	ssyncset.done @!p0 $0x0  }
0x3d: {  	[sflag:s0] =	ssyncadd.s32 @!p0 s1  }
0x3e: {  	[bflag:$0x3] =	sbarrier.arrive $0xFFFF  }
0x3f: {  	_ =	shalt  }

</sc_bundles>
